<compile_context>
chip_gen: v7x
topology: tpu7x:2x2x1
jax: 0.10.2.dev20260603
libtpu: 0.0.44.dev20260713+nightly
codegen_flags: <defaults>
</compile_context>

<pallas_src>
import functools

import jax
import jax.numpy as jnp
from jax import lax
from jax.experimental import pallas as pl
from jax.experimental.pallas import tpu as pltpu
from jax.experimental.pallas import tpu_sc as plsc

NC = 2
NS = 16
NW = NC * NS
K = 128
SUP = 16
NSLOT = 8
LOOK = 4


def _sc_agg_kernel(n_pad, n_chunks):
  cpw = n_chunks // NW
  nsup = cpw // SUP
  rpt = n_pad // NS

  mesh = plsc.VectorSubcoreMesh(
      core_axis_name="c", subcore_axis_name="s",
      num_cores=NC, num_subcores=NS)

  @functools.partial(
      pl.kernel,
      out_type=jax.ShapeDtypeStruct((NC, n_pad, 16), jnp.float32),
      mesh=mesh,
      scratch_types=[
          pltpu.VMEM((SUP, K), jnp.int32),
          pltpu.VMEM((SUP, K), jnp.int32),
          [pltpu.VMEM((K, 16), jnp.float32) for _ in range(NSLOT)],
          pltpu.VMEM_SHARED((n_pad, 16), jnp.float32),
          pltpu.SemaphoreType.DMA,
          [pltpu.SemaphoreType.DMA for _ in range(NSLOT)],
          [pltpu.SemaphoreType.DMA for _ in range(NSLOT)],
      ],
      compiler_params=pltpu.CompilerParams(use_tc_tiling_on_sc=False),
  )
  def sc_agg(mu_hbm, row_hbm, col_hbm, zeros_hbm, out_hbm,
             rowb, colb, vals, agg_sh, isem, gsems, ssems):
    c = lax.axis_index("c")
    s = lax.axis_index("s")
    w = c * NS + s

    pltpu.sync_copy(zeros_hbm.at[pl.ds(s * rpt, rpt)],
                    agg_sh.at[pl.ds(s * rpt, rpt)])
    plsc.subcore_barrier()

    def body(sup, carry):
      chunk0 = w * cpw + sup * SUP
      ic1 = pltpu.async_copy(row_hbm.at[pl.ds(chunk0, SUP)], rowb, isem)
      ic2 = pltpu.async_copy(col_hbm.at[pl.ds(chunk0, SUP)], colb, isem)
      ic1.wait()
      ic2.wait()
      gcps = [None] * SUP
      scps = [None] * SUP
      for j in range(LOOK):
        gcps[j] = pltpu.async_copy(
            mu_hbm.at[colb.at[j]], vals[j % NSLOT], gsems[j % NSLOT])
      for j in range(SUP):
        nxt = j + LOOK
        if nxt < SUP:
          if nxt - NSLOT >= 0:
            scps[nxt - NSLOT].wait()
          gcps[nxt] = pltpu.async_copy(
              mu_hbm.at[colb.at[nxt]], vals[nxt % NSLOT], gsems[nxt % NSLOT])
        gcps[j].wait()
        scps[j] = pltpu.async_copy(
            vals[j % NSLOT], agg_sh.at[rowb.at[j]], ssems[j % NSLOT],
            add=True)
      for j in range(SUP - NSLOT, SUP):
        scps[j].wait()
      return carry

    lax.fori_loop(0, nsup, body, 0)
    plsc.subcore_barrier()

    pltpu.sync_copy(agg_sh.at[pl.ds(s * rpt, rpt)],
                    out_hbm.at[c, pl.ds(s * rpt, rpt)])

  return sc_agg


def _erf(x):
  z = jnp.abs(x)
  t = 1.0 / (1.0 + 0.3275911 * z)
  poly = t * (0.254829592 + t * (-0.284496736 + t * (1.421413741
             + t * (-1.453152027 + t * 1.061405429))))
  r = 1.0 - poly * jnp.exp(-z * z)
  return jnp.where(x < 0, -r, r)


def _mlp_block_kernel(part_ref, w1_ref, b1_ref, w2_ref, b2_ref, out_ref):
  x = part_ref[0] + part_ref[1]
  deg = jnp.maximum(x[8:9, :], 1.0)
  w1 = w1_ref[...]
  b1 = b1_ref[...]
  w2 = w2_ref[...]
  b2 = b2_ref[0, 0]
  rows = []
  for bb in range(8):
    s = x[bb:bb + 1, :] / deg
    h = s * w1 + b1
    g = 0.5 * h * (1.0 + _erf(h * 0.7071067811865476))
    g = g.astype(jnp.bfloat16).astype(jnp.float32)
    yb = jnp.sum(g * w2, axis=0, keepdims=True) + b2
    rows.append(yb)
  out_ref[...] = jnp.concatenate(rows, axis=0)


def kernel(mu, edge_index, W1, b1, W2, b2):
  bsz, n = mu.shape
  e = edge_index.shape[1]
  hdim = W1.shape[0]

  mu_t = mu.T
  mu_ext = jnp.concatenate(
      [mu_t,
       jnp.ones((n, 1), jnp.float32),
       jnp.zeros((n, 16 - bsz - 1), jnp.float32)], axis=1)
  n_pad = (n // (8 * NS) + 1) * 8 * NS

  unit = NW * K * SUP
  e_pad = ((e + unit - 1) // unit) * unit
  n_chunks = e_pad // K
  pad = e_pad - e
  row3 = jnp.concatenate(
      [edge_index[0], jnp.full((pad,), n, jnp.int32)]).reshape(n_chunks, K)
  col3 = jnp.concatenate(
      [edge_index[1], jnp.zeros((pad,), jnp.int32)]).reshape(n_chunks, K)
  zeros_init = jnp.zeros((n_pad, 16), jnp.float32)

  partial = _sc_agg_kernel(n_pad, n_chunks)(mu_ext, row3, col3, zeros_init)

  part_t = jnp.transpose(partial, (0, 2, 1))
  w1f = W1.reshape(hdim, 1)
  b1f = b1.reshape(hdim, 1)
  w2f = W2.astype(jnp.bfloat16).astype(jnp.float32).reshape(hdim, 1)
  b2f = b2.reshape(1, 1)
  nb = 512
  grid = (n_pad + nb - 1) // nb
  yt = pl.pallas_call(
      _mlp_block_kernel,
      grid=(grid,),
      in_specs=[
          pl.BlockSpec((NC, 16, nb), lambda i: (0, 0, i)),
          pl.BlockSpec((hdim, 1), lambda i: (0, 0)),
          pl.BlockSpec((hdim, 1), lambda i: (0, 0)),
          pl.BlockSpec((hdim, 1), lambda i: (0, 0)),
          pl.BlockSpec((1, 1), lambda i: (0, 0)),
      ],
      out_specs=pl.BlockSpec((8, nb), lambda i: (0, i)),
      out_shape=jax.ShapeDtypeStruct((8, n_pad), jnp.float32),
  )(part_t, w1f, b1f, w2f, b2f)

  return yt[:, :n]

# --- scband reference (transcript-rebuilt; emitter-appended) ---
"""Pipeline reference for scband-py-glaplacian-refiner-17910013624467 (READ-ONLY COPY).

The authoritative reference and input builder live on the scoring server;
editing this copy changes nothing except your own understanding.
"""

import jax, jax.numpy as jnp
import numpy as np

B, N, E, H = 8, 100000, 3200000, 128


def setup_inputs(seed: int = 0) -> dict:
    key = jax.random.key(seed)
    k1, k2, k3, k4 = jax.random.split(key, 4)
    mu = jax.random.normal(k1, (B, N), dtype=jnp.float32)
    edge_index = jax.random.randint(k2, (2, E), 0, N, dtype=jnp.int32)
    # Parameters of nn.Sequential(Linear(1,H), GELU, Linear(H,1)), torch layout W:[out,in]
    W1 = jax.random.normal(k3, (H, 1), dtype=jnp.float32) * 0.1
    b1 = jnp.zeros((H,), dtype=jnp.float32)
    W2 = jax.random.normal(k4, (1, H), dtype=jnp.float32) * 0.1
    b2 = jnp.zeros((1,), dtype=jnp.float32)
    return {"mu": mu, "edge_index": edge_index, "W1": W1, "b1": b1, "W2": W2, "b2": b2}


def reference(mu, edge_index, W1, b1, W2, b2):
    row = edge_index[0]
    col = edge_index[1]
    n = mu.shape[1]
    # degree via scatter-add of ones on row, clamped at 1.0
    deg = jnp.zeros((n,), dtype=mu.dtype).at[row].add(jnp.ones_like(row, dtype=mu.dtype))
    deg = jnp.clip(deg, 1.0, None)
    # vectorized over batch: agg[b].scatter_add_(0, row, mu[b][col])
    agg = jnp.zeros_like(mu).at[:, row].add(mu[:, col])
    out = agg / deg[None, :]
    # mlp on trailing scalar dim: Linear(1,H) -> GELU(exact) -> Linear(H,1)
    h = out[..., None] @ W1.T + b1
    h = jax.nn.gelu(h, approximate=False)
    y = h @ W2.T + b2
    return y[..., 0]

if __name__ == "__main__":
    import jax
    _d = setup_inputs()
    print(jax.jit(kernel)(*tuple(_d.values())))

</pallas_src>

<mosaic_0001>
#map = affine_map<(d0, d1) -> (0, 0)>
#map1 = affine_map<(d0, d1) -> (0, 0, 0)>
module attributes {stable_mosaic.version = 14 : i64} {
  func.func @sc_agg(%arg0: i32, %arg1: i32, %arg2: memref<100000x16xf32, #tpu.memory_space<hbm>>, %arg3: memref<25088x128xi32, #tpu.memory_space<hbm>>, %arg4: memref<25088x128xi32, #tpu.memory_space<hbm>>, %arg5: memref<100096x16xf32, #tpu.memory_space<hbm>>, %arg6: memref<2x100096x16xf32, #tpu.memory_space<hbm>>, %arg7: memref<16x128xi32, #tpu.memory_space<vmem>>, %arg8: memref<16x128xi32, #tpu.memory_space<vmem>>, %arg9: memref<128x16xf32, #tpu.memory_space<vmem>>, %arg10: memref<128x16xf32, #tpu.memory_space<vmem>>, %arg11: memref<128x16xf32, #tpu.memory_space<vmem>>, %arg12: memref<128x16xf32, #tpu.memory_space<vmem>>, %arg13: memref<128x16xf32, #tpu.memory_space<vmem>>, %arg14: memref<128x16xf32, #tpu.memory_space<vmem>>, %arg15: memref<128x16xf32, #tpu.memory_space<vmem>>, %arg16: memref<128x16xf32, #tpu.memory_space<vmem>>, %arg17: memref<100096x16xf32, #tpu.memory_space<vmem_shared>>, %arg18: memref<!tpu.dma_semaphore, #tpu.memory_space<semaphore_mem>>, %arg19: memref<!tpu.dma_semaphore, #tpu.memory_space<semaphore_mem>>, %arg20: memref<!tpu.dma_semaphore, #tpu.memory_space<semaphore_mem>>, %arg21: memref<!tpu.dma_semaphore, #tpu.memory_space<semaphore_mem>>, %arg22: memref<!tpu.dma_semaphore, #tpu.memory_space<semaphore_mem>>, %arg23: memref<!tpu.dma_semaphore, #tpu.memory_space<semaphore_mem>>, %arg24: memref<!tpu.dma_semaphore, #tpu.memory_space<semaphore_mem>>, %arg25: memref<!tpu.dma_semaphore, #tpu.memory_space<semaphore_mem>>, %arg26: memref<!tpu.dma_semaphore, #tpu.memory_space<semaphore_mem>>, %arg27: memref<!tpu.dma_semaphore, #tpu.memory_space<semaphore_mem>>, %arg28: memref<!tpu.dma_semaphore, #tpu.memory_space<semaphore_mem>>, %arg29: memref<!tpu.dma_semaphore, #tpu.memory_space<semaphore_mem>>, %arg30: memref<!tpu.dma_semaphore, #tpu.memory_space<semaphore_mem>>, %arg31: memref<!tpu.dma_semaphore, #tpu.memory_space<semaphore_mem>>, %arg32: memref<!tpu.dma_semaphore, #tpu.memory_space<semaphore_mem>>, %arg33: memref<!tpu.dma_semaphore, #tpu.memory_space<semaphore_mem>>, %arg34: memref<!tpu.dma_semaphore, #tpu.memory_space<semaphore_mem>>) attributes {dimension_semantics = [#tpu.dimension_semantics<core_parallel>, #tpu.dimension_semantics<subcore_parallel>], iteration_bounds = array<i64: 2, 16>, scalar_prefetch = 0 : i64, scratch_operands = 28 : i64, tpu.core_type = #tpu.core_type<sc_vector_subcore>, window_params = [{transform_indices = #map}, {transform_indices = #map}, {transform_indices = #map}, {transform_indices = #map}, {transform_indices = #map1}]} {
    %mul3A = arith.constant 16 : i32
    %mul3A_0 = arith.muli %arg0, %mul3A : i32
    %add3A = arith.addi %mul3A_0, %arg1 : i32
    %mul3A_1 = arith.constant 6256 : i32
    %mul3A_2 = arith.muli %arg1, %mul3A_1 : i32
    %mul3A_3 = arith.constant 6256 : i32
    %mul3A_4 = arith.muli %arg1, %mul3A_3 : i32
    "tpu.region"() ({
      %run_scoped3A = tpu.sem_alloc : memref<!tpu.dma_semaphore, #tpu.memory_space<semaphore_mem>>
      %dma_start3A = arith.constant 0 : i32
      %dma_start3A_15 = tpu.memref_slice %arg17[%mul3A_4, %dma_start3A] : memref<100096x16xf32, #tpu.memory_space<vmem_shared>> -> memref<6256x16xf32, #tpu.memory_space<vmem_shared>>
      %dma_start3A_16 = arith.constant 0 : i32
      %dma_start3A_17 = tpu.memref_slice %arg5[%mul3A_2, %dma_start3A_16] : memref<100096x16xf32, #tpu.memory_space<hbm>> -> memref<6256x16xf32, #tpu.memory_space<hbm>>
      tpu.enqueue_dma source(%dma_start3A_17 : memref<6256x16xf32, #tpu.memory_space<hbm>>) target(%dma_start3A_15 : memref<6256x16xf32, #tpu.memory_space<vmem_shared>>) target_semaphore(%run_scoped3A : memref<!tpu.dma_semaphore, #tpu.memory_space<semaphore_mem>>)
      %dma_wait3A = arith.constant 0 : i32
      %dma_wait3A_18 = tpu.memref_slice %arg17[%mul3A_4, %dma_wait3A] : memref<100096x16xf32, #tpu.memory_space<vmem_shared>> -> memref<6256x16xf32, #tpu.memory_space<vmem_shared>>
      %dma_wait3A_19 = arith.constant 0 : i32
      %dma_wait3A_20 = tpu.memref_slice %arg5[%mul3A_2, %dma_wait3A_19] : memref<100096x16xf32, #tpu.memory_space<hbm>> -> memref<6256x16xf32, #tpu.memory_space<hbm>>
      tpu.wait_dma2 semaphore(%run_scoped3A : memref<!tpu.dma_semaphore, #tpu.memory_space<semaphore_mem>>) src(%dma_wait3A_20 : memref<6256x16xf32, #tpu.memory_space<hbm>>) dst(%dma_wait3A_18 : memref<6256x16xf32, #tpu.memory_space<vmem_shared>>)
      tpu.yield
    }) : () -> ()
    %barrier3A = arith.constant 0 : index
    tpu.barrier barrier_id(%barrier3A)
    %scan3A = arith.constant 0 : i32
    %scan3A_5 = arith.constant 0 : i32
    %scan3A_6 = arith.constant 49 : i32
    %scan3A_7 = arith.addi %scan3A_5, %scan3A_6 : i32
    %scan3A_8 = arith.constant 1 : i32
    scf.for %scan3A_15 = %scan3A_5 to %scan3A_7 step %scan3A_8  : i32 {
      %mul3A_16 = arith.constant 784 : i32
      %mul3A_17 = arith.muli %add3A, %mul3A_16 : i32
      %mul3A_18 = arith.constant 16 : i32
      %mul3A_19 = arith.muli %scan3A_15, %mul3A_18 : i32
      %add3A_20 = arith.addi %mul3A_17, %mul3A_19 : i32
      %dma_start3A = arith.constant 0 : i32
      %dma_start3A_21 = tpu.memref_slice %arg3[%add3A_20, %dma_start3A] : memref<25088x128xi32, #tpu.memory_space<hbm>> -> memref<16x128xi32, #tpu.memory_space<hbm>>
      %dma_start3A_22 = arith.constant 0 : i32
      %dma_start3A_23 = tpu.memref_slice %arg3[%add3A_20, %dma_start3A_22] : memref<25088x128xi32, #tpu.memory_space<hbm>> -> memref<16x128xi32, #tpu.memory_space<hbm>>
      tpu.enqueue_dma source(%dma_start3A_23 : memref<16x128xi32, #tpu.memory_space<hbm>>) target(%arg7 : memref<16x128xi32, #tpu.memory_space<vmem>>) target_semaphore(%arg18 : memref<!tpu.dma_semaphore, #tpu.memory_space<semaphore_mem>>)
      %dma_start3A_24 = arith.constant 0 : i32
      %dma_start3A_25 = tpu.memref_slice %arg4[%add3A_20, %dma_start3A_24] : memref<25088x128xi32, #tpu.memory_space<hbm>> -> memref<16x128xi32, #tpu.memory_space<hbm>>
      %dma_start3A_26 = arith.constant 0 : i32
      %dma_start3A_27 = tpu.memref_slice %arg4[%add3A_20, %dma_start3A_26] : memref<25088x128xi32, #tpu.memory_space<hbm>> -> memref<16x128xi32, #tpu.memory_space<hbm>>
      tpu.enqueue_dma source(%dma_start3A_27 : memref<16x128xi32, #tpu.memory_space<hbm>>) target(%arg8 : memref<16x128xi32, #tpu.memory_space<vmem>>) target_semaphore(%arg18 : memref<!tpu.dma_semaphore, #tpu.memory_space<semaphore_mem>>)
      %dma_wait3A = arith.constant 0 : i32
      %dma_wait3A_28 = tpu.memref_slice %arg3[%add3A_20, %dma_wait3A] : memref<25088x128xi32, #tpu.memory_space<hbm>> -> memref<16x128xi32, #tpu.memory_space<hbm>>
      %dma_wait3A_29 = arith.constant 0 : i32
      %dma_wait3A_30 = tpu.memref_slice %arg3[%add3A_20, %dma_wait3A_29] : memref<25088x128xi32, #tpu.memory_space<hbm>> -> memref<16x128xi32, #tpu.memory_space<hbm>>
      tpu.wait_dma2 semaphore(%arg18 : memref<!tpu.dma_semaphore, #tpu.memory_space<semaphore_mem>>) src(%dma_wait3A_30 : memref<16x128xi32, #tpu.memory_space<hbm>>) dst(%arg7 : memref<16x128xi32, #tpu.memory_space<vmem>>)
      %dma_wait3A_31 = arith.constant 0 : i32
      %dma_wait3A_32 = tpu.memref_slice %arg4[%add3A_20, %dma_wait3A_31] : memref<25088x128xi32, #tpu.memory_space<hbm>> -> memref<16x128xi32, #tpu.memory_space<hbm>>
      %dma_wait3A_33 = arith.constant 0 : i32
      %dma_wait3A_34 = tpu.memref_slice %arg4[%add3A_20, %dma_wait3A_33] : memref<25088x128xi32, #tpu.memory_space<hbm>> -> memref<16x128xi32, #tpu.memory_space<hbm>>
      tpu.wait_dma2 semaphore(%arg18 : memref<!tpu.dma_semaphore, #tpu.memory_space<semaphore_mem>>) src(%dma_wait3A_34 : memref<16x128xi32, #tpu.memory_space<hbm>>) dst(%arg8 : memref<16x128xi32, #tpu.memory_space<vmem>>)
      %dma_start3A_35 = arith.constant 0 : i32
      %dma_start3A_36 = arith.constant 0 : i32
      %dma_start3A_37 = tpu.memref_slice %arg8[%dma_start3A_35, %dma_start3A_36] : memref<16x128xi32, #tpu.memory_space<vmem>> -> memref<1x128xi32, #tpu.memory_space<vmem>>
      %dma_start3A_38 = tpu.memref_squeeze %dma_start3A_37 : memref<1x128xi32, #tpu.memory_space<vmem>> -> memref<128xi32, #tpu.memory_space<vmem>>
      %dma_start3A_39 = arith.constant 0 : i32
      %dma_start3A_40 = arith.constant 0 : i32
      %dma_start3A_41 = tpu.memref_slice %arg2[%dma_start3A_39, %dma_start3A_40] : memref<100000x16xf32, #tpu.memory_space<hbm>> -> memref<100000x16xf32, #tpu.memory_space<hbm>>
      tpu.enqueue_indirect_dma source(%dma_start3A_41 : memref<100000x16xf32, #tpu.memory_space<hbm>>) target(%arg9 : memref<128x16xf32, #tpu.memory_space<vmem>>) offsets(%dma_start3A_38 : memref<128xi32, #tpu.memory_space<vmem>>) semaphore(%arg19 : memref<!tpu.dma_semaphore, #tpu.memory_space<semaphore_mem>>)
      %dma_start3A_42 = arith.constant 1 : i32
      %dma_start3A_43 = arith.constant 0 : i32
      %dma_start3A_44 = tpu.memref_slice %arg8[%dma_start3A_42, %dma_start3A_43] : memref<16x128xi32, #tpu.memory_space<vmem>> -> memref<1x128xi32, #tpu.memory_space<vmem>>
      %dma_start3A_45 = tpu.memref_squeeze %dma_start3A_44 : memref<1x128xi32, #tpu.memory_space<vmem>> -> memref<128xi32, #tpu.memory_space<vmem>>
      %dma_start3A_46 = arith.constant 0 : i32
      %dma_start3A_47 = arith.constant 0 : i32
      %dma_start3A_48 = tpu.memref_slice %arg2[%dma_start3A_46, %dma_start3A_47] : memref<100000x16xf32, #tpu.memory_space<hbm>> -> memref<100000x16xf32, #tpu.memory_space<hbm>>
      tpu.enqueue_indirect_dma source(%dma_start3A_48 : memref<100000x16xf32, #tpu.memory_space<hbm>>) target(%arg10 : memref<128x16xf32, #tpu.memory_space<vmem>>) offsets(%dma_start3A_45 : memref<128xi32, #tpu.memory_space<vmem>>) semaphore(%arg20 : memref<!tpu.dma_semaphore, #tpu.memory_space<semaphore_mem>>)
      %dma_start3A_49 = arith.constant 2 : i32
      %dma_start3A_50 = arith.constant 0 : i32
      %dma_start3A_51 = tpu.memref_slice %arg8[%dma_start3A_49, %dma_start3A_50] : memref<16x128xi32, #tpu.memory_space<vmem>> -> memref<1x128xi32, #tpu.memory_space<vmem>>
      %dma_start3A_52 = tpu.memref_squeeze %dma_start3A_51 : memref<1x128xi32, #tpu.memory_space<vmem>> -> memref<128xi32, #tpu.memory_space<vmem>>
      %dma_start3A_53 = arith.constant 0 : i32
      %dma_start3A_54 = arith.constant 0 : i32
      %dma_start3A_55 = tpu.memref_slice %arg2[%dma_start3A_53, %dma_start3A_54] : memref<100000x16xf32, #tpu.memory_space<hbm>> -> memref<100000x16xf32, #tpu.memory_space<hbm>>
      tpu.enqueue_indirect_dma source(%dma_start3A_55 : memref<100000x16xf32, #tpu.memory_space<hbm>>) target(%arg11 : memref<128x16xf32, #tpu.memory_space<vmem>>) offsets(%dma_start3A_52 : memref<128xi32, #tpu.memory_space<vmem>>) semaphore(%arg21 : memref<!tpu.dma_semaphore, #tpu.memory_space<semaphore_mem>>)
      %dma_start3A_56 = arith.constant 3 : i32
      %dma_start3A_57 = arith.constant 0 : i32
      %dma_start3A_58 = tpu.memref_slice %arg8[%dma_start3A_56, %dma_start3A_57] : memref<16x128xi32, #tpu.memory_space<vmem>> -> memref<1x128xi32, #tpu.memory_space<vmem>>
      %dma_start3A_59 = tpu.memref_squeeze %dma_start3A_58 : memref<1x128xi32, #tpu.memory_space<vmem>> -> memref<128xi32, #tpu.memory_space<vmem>>
      %dma_start3A_60 = arith.constant 0 : i32
      %dma_start3A_61 = arith.constant 0 : i32
      %dma_start3A_62 = tpu.memref_slice %arg2[%dma_start3A_60, %dma_start3A_61] : memref<100000x16xf32, #tpu.memory_space<hbm>> -> memref<100000x16xf32, #tpu.memory_space<hbm>>
      tpu.enqueue_indirect_dma source(%dma_start3A_62 : memref<100000x16xf32, #tpu.memory_space<hbm>>) target(%arg12 : memref<128x16xf32, #tpu.memory_space<vmem>>) offsets(%dma_start3A_59 : memref<128xi32, #tpu.memory_space<vmem>>) semaphore(%arg22 : memref<!tpu.dma_semaphore, #tpu.memory_space<semaphore_mem>>)
      %dma_start3A_63 = arith.constant 4 : i32
      %dma_start3A_64 = arith.constant 0 : i32
      %dma_start3A_65 = tpu.memref_slice %arg8[%dma_start3A_63, %dma_start3A_64] : memref<16x128xi32, #tpu.memory_space<vmem>> -> memref<1x128xi32, #tpu.memory_space<vmem>>
      %dma_start3A_66 = tpu.memref_squeeze %dma_start3A_65 : memref<1x128xi32, #tpu.memory_space<vmem>> -> memref<128xi32, #tpu.memory_space<vmem>>
      %dma_start3A_67 = arith.constant 0 : i32
      %dma_start3A_68 = arith.constant 0 : i32
      %dma_start3A_69 = tpu.memref_slice %arg2[%dma_start3A_67, %dma_start3A_68] : memref<100000x16xf32, #tpu.memory_space<hbm>> -> memref<100000x16xf32, #tpu.memory_space<hbm>>
      tpu.enqueue_indirect_dma source(%dma_start3A_69 : memref<100000x16xf32, #tpu.memory_space<hbm>>) target(%arg13 : memref<128x16xf32, #tpu.memory_space<vmem>>) offsets(%dma_start3A_66 : memref<128xi32, #tpu.memory_space<vmem>>) semaphore(%arg23 : memref<!tpu.dma_semaphore, #tpu.memory_space<semaphore_mem>>)
      %dma_wait3A_70 = arith.constant 0 : i32
      %dma_wait3A_71 = arith.constant 0 : i32
      %dma_wait3A_72 = tpu.memref_slice %arg8[%dma_wait3A_70, %dma_wait3A_71] : memref<16x128xi32, #tpu.memory_space<vmem>> -> memref<1x128xi32, #tpu.memory_space<vmem>>
      %dma_wait3A_73 = tpu.memref_squeeze %dma_wait3A_72 : memref<1x128xi32, #tpu.memory_space<vmem>> -> memref<128xi32, #tpu.memory_space<vmem>>
      %dma_wait3A_74 = arith.constant 0 : i32
      %dma_wait3A_75 = arith.constant 0 : i32
      %dma_wait3A_76 = tpu.memref_slice %arg2[%dma_wait3A_74, %dma_wait3A_75] : memref<100000x16xf32, #tpu.memory_space<hbm>> -> memref<100000x16xf32, #tpu.memory_space<hbm>>
      tpu.wait_indirect_dma semaphore(%arg19 : memref<!tpu.dma_semaphore, #tpu.memory_space<semaphore_mem>>) src(%dma_wait3A_76 : memref<100000x16xf32, #tpu.memory_space<hbm>>) dst(%arg9 : memref<128x16xf32, #tpu.memory_space<vmem>>)
      %dma_start3A_77 = arith.constant 0 : i32
      %dma_start3A_78 = arith.constant 0 : i32
      %dma_start3A_79 = tpu.memref_slice %arg7[%dma_start3A_77, %dma_start3A_78] : memref<16x128xi32, #tpu.memory_space<vmem>> -> memref<1x128xi32, #tpu.memory_space<vmem>>
      %dma_start3A_80 = tpu.memref_squeeze %dma_start3A_79 : memref<1x128xi32, #tpu.memory_space<vmem>> -> memref<128xi32, #tpu.memory_space<vmem>>
      %dma_start3A_81 = arith.constant 0 : i32
      %dma_start3A_82 = arith.constant 0 : i32
      %dma_start3A_83 = tpu.memref_slice %arg17[%dma_start3A_81, %dma_start3A_82] : memref<100096x16xf32, #tpu.memory_space<vmem_shared>> -> memref<100096x16xf32, #tpu.memory_space<vmem_shared>>
      tpu.enqueue_indirect_dma source(%arg9 : memref<128x16xf32, #tpu.memory_space<vmem>>) target(%dma_start3A_83 : memref<100096x16xf32, #tpu.memory_space<vmem_shared>>) offsets(%dma_start3A_80 : memref<128xi32, #tpu.memory_space<vmem>>) semaphore(%arg27 : memref<!tpu.dma_semaphore, #tpu.memory_space<semaphore_mem>>) {add = true}
      %dma_start3A_84 = arith.constant 5 : i32
      %dma_start3A_85 = arith.constant 0 : i32
      %dma_start3A_86 = tpu.memref_slice %arg8[%dma_start3A_84, %dma_start3A_85] : memref<16x128xi32, #tpu.memory_space<vmem>> -> memref<1x128xi32, #tpu.memory_space<vmem>>
      %dma_start3A_87 = tpu.memref_squeeze %dma_start3A_86 : memref<1x128xi32, #tpu.memory_space<vmem>> -> memref<128xi32, #tpu.memory_space<vmem>>
      %dma_start3A_88 = arith.constant 0 : i32
      %dma_start3A_89 = arith.constant 0 : i32
      %dma_start3A_90 = tpu.memref_slice %arg2[%dma_start3A_88, %dma_start3A_89] : memref<100000x16xf32, #tpu.memory_space<hbm>> -> memref<100000x16xf32, #tpu.memory_space<hbm>>
      tpu.enqueue_indirect_dma source(%dma_start3A_90 : memref<100000x16xf32, #tpu.memory_space<hbm>>) target(%arg14 : memref<128x16xf32, #tpu.memory_space<vmem>>) offsets(%dma_start3A_87 : memref<128xi32, #tpu.memory_space<vmem>>) semaphore(%arg24 : memref<!tpu.dma_semaphore, #tpu.memory_space<semaphore_mem>>)
      %dma_wait3A_91 = arith.constant 1 : i32
      %dma_wait3A_92 = arith.constant 0 : i32
      %dma_wait3A_93 = tpu.memref_slice %arg8[%dma_wait3A_91, %dma_wait3A_92] : memref<16x128xi32, #tpu.memory_space<vmem>> -> memref<1x128xi32, #tpu.memory_space<vmem>>
      %dma_wait3A_94 = tpu.memref_squeeze %dma_wait3A_93 : memref<1x128xi32, #tpu.memory_space<vmem>> -> memref<128xi32, #tpu.memory_space<vmem>>
      %dma_wait3A_95 = arith.constant 0 : i32
      %dma_wait3A_96 = arith.constant 0 : i32
      %dma_wait3A_97 = tpu.memref_slice %arg2[%dma_wait3A_95, %dma_wait3A_96] : memref<100000x16xf32, #tpu.memory_space<hbm>> -> memref<100000x16xf32, #tpu.memory_space<hbm>>
      tpu.wait_indirect_dma semaphore(%arg20 : memref<!tpu.dma_semaphore, #tpu.memory_space<semaphore_mem>>) src(%dma_wait3A_97 : memref<100000x16xf32, #tpu.memory_space<hbm>>) dst(%arg10 : memref<128x16xf32, #tpu.memory_space<vmem>>)
      %dma_start3A_98 = arith.constant 1 : i32
      %dma_start3A_99 = arith.constant 0 : i32
      %dma_start3A_100 = tpu.memref_slice %arg7[%dma_start3A_98, %dma_start3A_99] : memref<16x128xi32, #tpu.memory_space<vmem>> -> memref<1x128xi32, #tpu.memory_space<vmem>>
      %dma_start3A_101 = tpu.memref_squeeze %dma_start3A_100 : memref<1x128xi32, #tpu.memory_space<vmem>> -> memref<128xi32, #tpu.memory_space<vmem>>
      %dma_start3A_102 = arith.constant 0 : i32
      %dma_start3A_103 = arith.constant 0 : i32
      %dma_start3A_104 = tpu.memref_slice %arg17[%dma_start3A_102, %dma_start3A_103] : memref<100096x16xf32, #tpu.memory_space<vmem_shared>> -> memref<100096x16xf32, #tpu.memory_space<vmem_shared>>
      tpu.enqueue_indirect_dma source(%arg10 : memref<128x16xf32, #tpu.memory_space<vmem>>) target(%dma_start3A_104 : memref<100096x16xf32, #tpu.memory_space<vmem_shared>>) offsets(%dma_start3A_101 : memref<128xi32, #tpu.memory_space<vmem>>) semaphore(%arg28 : memref<!tpu.dma_semaphore, #tpu.memory_space<semaphore_mem>>) {add = true}
      %dma_start3A_105 = arith.constant 6 : i32
      %dma_start3A_106 = arith.constant 0 : i32
      %dma_start3A_107 = tpu.memref_slice %arg8[%dma_start3A_105, %dma_start3A_106] : memref<16x128xi32, #tpu.memory_space<vmem>> -> memref<1x128xi32, #tpu.memory_space<vmem>>
      %dma_start3A_108 = tpu.memref_squeeze %dma_start3A_107 : memref<1x128xi32, #tpu.memory_space<vmem>> -> memref<128xi32, #tpu.memory_space<vmem>>
      %dma_start3A_109 = arith.constant 0 : i32
      %dma_start3A_110 = arith.constant 0 : i32
      %dma_start3A_111 = tpu.memref_slice %arg2[%dma_start3A_109, %dma_start3A_110] : memref<100000x16xf32, #tpu.memory_space<hbm>> -> memref<100000x16xf32, #tpu.memory_space<hbm>>
      tpu.enqueue_indirect_dma source(%dma_start3A_111 : memref<100000x16xf32, #tpu.memory_space<hbm>>) target(%arg15 : memref<128x16xf32, #tpu.memory_space<vmem>>) offsets(%dma_start3A_108 : memref<128xi32, #tpu.memory_space<vmem>>) semaphore(%arg25 : memref<!tpu.dma_semaphore, #tpu.memory_space<semaphore_mem>>)
      %dma_wait3A_112 = arith.constant 2 : i32
      %dma_wait3A_113 = arith.constant 0 : i32
      %dma_wait3A_114 = tpu.memref_slice %arg8[%dma_wait3A_112, %dma_wait3A_113] : memref<16x128xi32, #tpu.memory_space<vmem>> -> memref<1x128xi32, #tpu.memory_space<vmem>>
      %dma_wait3A_115 = tpu.memref_squeeze %dma_wait3A_114 : memref<1x128xi32, #tpu.memory_space<vmem>> -> memref<128xi32, #tpu.memory_space<vmem>>
      %dma_wait3A_116 = arith.constant 0 : i32
      %dma_wait3A_117 = arith.constant 0 : i32
      %dma_wait3A_118 = tpu.memref_slice %arg2[%dma_wait3A_116, %dma_wait3A_117] : memref<100000x16xf32, #tpu.memory_space<hbm>> -> memref<100000x16xf32, #tpu.memory_space<hbm>>
      tpu.wait_indirect_dma semaphore(%arg21 : memref<!tpu.dma_semaphore, #tpu.memory_space<semaphore_mem>>) src(%dma_wait3A_118 : memref<100000x16xf32, #tpu.memory_space<hbm>>) dst(%arg11 : memref<128x16xf32, #tpu.memory_space<vmem>>)
      %dma_start3A_119 = arith.constant 2 : i32
      %dma_start3A_120 = arith.constant 0 : i32
      %dma_start3A_121 = tpu.memref_slice %arg7[%dma_start3A_119, %dma_start3A_120] : memref<16x128xi32, #tpu.memory_space<vmem>> -> memref<1x128xi32, #tpu.memory_space<vmem>>
      %dma_start3A_122 = tpu.memref_squeeze %dma_start3A_121 : memref<1x128xi32, #tpu.memory_space<vmem>> -> memref<128xi32, #tpu.memory_space<vmem>>
      %dma_start3A_123 = arith.constant 0 : i32
      %dma_start3A_124 = arith.constant 0 : i32
      %dma_start3A_125 = tpu.memref_slice %arg17[%dma_start3A_123, %dma_start3A_124] : memref<100096x16xf32, #tpu.memory_space<vmem_shared>> -> memref<100096x16xf32, #tpu.memory_space<vmem_shared>>
      tpu.enqueue_indirect_dma source(%arg11 : memref<128x16xf32, #tpu.memory_space<vmem>>) target(%dma_start3A_125 : memref<100096x16xf32, #tpu.memory_space<vmem_shared>>) offsets(%dma_start3A_122 : memref<128xi32, #tpu.memory_space<vmem>>) semaphore(%arg29 : memref<!tpu.dma_semaphore, #tpu.memory_space<semaphore_mem>>) {add = true}
      %dma_start3A_126 = arith.constant 7 : i32
      %dma_start3A_127 = arith.constant 0 : i32
      %dma_start3A_128 = tpu.memref_slice %arg8[%dma_start3A_126, %dma_start3A_127] : memref<16x128xi32, #tpu.memory_space<vmem>> -> memref<1x128xi32, #tpu.memory_space<vmem>>
      %dma_start3A_129 = tpu.memref_squeeze %dma_start3A_128 : memref<1x128xi32, #tpu.memory_space<vmem>> -> memref<128xi32, #tpu.memory_space<vmem>>
      %dma_start3A_130 = arith.constant 0 : i32
      %dma_start3A_131 = arith.constant 0 : i32
      %dma_start3A_132 = tpu.memref_slice %arg2[%dma_start3A_130, %dma_start3A_131] : memref<100000x16xf32, #tpu.memory_space<hbm>> -> memref<100000x16xf32, #tpu.memory_space<hbm>>
      tpu.enqueue_indirect_dma source(%dma_start3A_132 : memref<100000x16xf32, #tpu.memory_space<hbm>>) target(%arg16 : memref<128x16xf32, #tpu.memory_space<vmem>>) offsets(%dma_start3A_129 : memref<128xi32, #tpu.memory_space<vmem>>) semaphore(%arg26 : memref<!tpu.dma_semaphore, #tpu.memory_space<semaphore_mem>>)
      %dma_wait3A_133 = arith.constant 3 : i32
      %dma_wait3A_134 = arith.constant 0 : i32
      %dma_wait3A_135 = tpu.memref_slice %arg8[%dma_wait3A_133, %dma_wait3A_134] : memref<16x128xi32, #tpu.memory_space<vmem>> -> memref<1x128xi32, #tpu.memory_space<vmem>>
      %dma_wait3A_136 = tpu.memref_squeeze %dma_wait3A_135 : memref<1x128xi32, #tpu.memory_space<vmem>> -> memref<128xi32, #tpu.memory_space<vmem>>
      %dma_wait3A_137 = arith.constant 0 : i32
      %dma_wait3A_138 = arith.constant 0 : i32
      %dma_wait3A_139 = tpu.memref_slice %arg2[%dma_wait3A_137, %dma_wait3A_138] : memref<100000x16xf32, #tpu.memory_space<hbm>> -> memref<100000x16xf32, #tpu.memory_space<hbm>>
      tpu.wait_indirect_dma semaphore(%arg22 : memref<!tpu.dma_semaphore, #tpu.memory_space<semaphore_mem>>) src(%dma_wait3A_139 : memref<100000x16xf32, #tpu.memory_space<hbm>>) dst(%arg12 : memref<128x16xf32, #tpu.memory_space<vmem>>)
      %dma_start3A_140 = arith.constant 3 : i32
      %dma_start3A_141 = arith.constant 0 : i32
      %dma_start3A_142 = tpu.memref_slice %arg7[%dma_start3A_140, %dma_start3A_141] : memref<16x128xi32, #tpu.memory_space<vmem>> -> memref<1x128xi32, #tpu.memory_space<vmem>>
      %dma_start3A_143 = tpu.memref_squeeze %dma_start3A_142 : memref<1x128xi32, #tpu.memory_space<vmem>> -> memref<128xi32, #tpu.memory_space<vmem>>
      %dma_start3A_144 = arith.constant 0 : i32
      %dma_start3A_145 = arith.constant 0 : i32
      %dma_start3A_146 = tpu.memref_slice %arg17[%dma_start3A_144, %dma_start3A_145] : memref<100096x16xf32, #tpu.memory_space<vmem_shared>> -> memref<100096x16xf32, #tpu.memory_space<vmem_shared>>
      tpu.enqueue_indirect_dma source(%arg12 : memref<128x16xf32, #tpu.memory_space<vmem>>) target(%dma_start3A_146 : memref<100096x16xf32, #tpu.memory_space<vmem_shared>>) offsets(%dma_start3A_143 : memref<128xi32, #tpu.memory_space<vmem>>) semaphore(%arg30 : memref<!tpu.dma_semaphore, #tpu.memory_space<semaphore_mem>>) {add = true}
      %dma_wait3A_147 = arith.constant 0 : i32
      %dma_wait3A_148 = arith.constant 0 : i32
      %dma_wait3A_149 = tpu.memref_slice %arg7[%dma_wait3A_147, %dma_wait3A_148] : memref<16x128xi32, #tpu.memory_space<vmem>> -> memref<1x128xi32, #tpu.memory_space<vmem>>
      %dma_wait3A_150 = tpu.memref_squeeze %dma_wait3A_149 : memref<1x128xi32, #tpu.memory_space<vmem>> -> memref<128xi32, #tpu.memory_space<vmem>>
      %dma_wait3A_151 = arith.constant 0 : i32
      %dma_wait3A_152 = arith.constant 0 : i32
      %dma_wait3A_153 = tpu.memref_slice %arg17[%dma_wait3A_151, %dma_wait3A_152] : memref<100096x16xf32, #tpu.memory_space<vmem_shared>> -> memref<100096x16xf32, #tpu.memory_space<vmem_shared>>
      tpu.wait_indirect_dma semaphore(%arg27 : memref<!tpu.dma_semaphore, #tpu.memory_space<semaphore_mem>>) src(%arg9 : memref<128x16xf32, #tpu.memory_space<vmem>>) dst(%dma_wait3A_153 : memref<100096x16xf32, #tpu.memory_space<vmem_shared>>)
      %dma_start3A_154 = arith.constant 8 : i32
      %dma_start3A_155 = arith.constant 0 : i32
      %dma_start3A_156 = tpu.memref_slice %arg8[%dma_start3A_154, %dma_start3A_155] : memref<16x128xi32, #tpu.memory_space<vmem>> -> memref<1x128xi32, #tpu.memory_space<vmem>>
      %dma_start3A_157 = tpu.memref_squeeze %dma_start3A_156 : memref<1x128xi32, #tpu.memory_space<vmem>> -> memref<128xi32, #tpu.memory_space<vmem>>
      %dma_start3A_158 = arith.constant 0 : i32
      %dma_start3A_159 = arith.constant 0 : i32
      %dma_start3A_160 = tpu.memref_slice %arg2[%dma_start3A_158, %dma_start3A_159] : memref<100000x16xf32, #tpu.memory_space<hbm>> -> memref<100000x16xf32, #tpu.memory_space<hbm>>
      tpu.enqueue_indirect_dma source(%dma_start3A_160 : memref<100000x16xf32, #tpu.memory_space<hbm>>) target(%arg9 : memref<128x16xf32, #tpu.memory_space<vmem>>) offsets(%dma_start3A_157 : memref<128xi32, #tpu.memory_space<vmem>>) semaphore(%arg19 : memref<!tpu.dma_semaphore, #tpu.memory_space<semaphore_mem>>)
      %dma_wait3A_161 = arith.constant 4 : i32
      %dma_wait3A_162 = arith.constant 0 : i32
      %dma_wait3A_163 = tpu.memref_slice %arg8[%dma_wait3A_161, %dma_wait3A_162] : memref<16x128xi32, #tpu.memory_space<vmem>> -> memref<1x128xi32, #tpu.memory_space<vmem>>
      %dma_wait3A_164 = tpu.memref_squeeze %dma_wait3A_163 : memref<1x128xi32, #tpu.memory_space<vmem>> -> memref<128xi32, #tpu.memory_space<vmem>>
      %dma_wait3A_165 = arith.constant 0 : i32
      %dma_wait3A_166 = arith.constant 0 : i32
      %dma_wait3A_167 = tpu.memref_slice %arg2[%dma_wait3A_165, %dma_wait3A_166] : memref<100000x16xf32, #tpu.memory_space<hbm>> -> memref<100000x16xf32, #tpu.memory_space<hbm>>
      tpu.wait_indirect_dma semaphore(%arg23 : memref<!tpu.dma_semaphore, #tpu.memory_space<semaphore_mem>>) src(%dma_wait3A_167 : memref<100000x16xf32, #tpu.memory_space<hbm>>) dst(%arg13 : memref<128x16xf32, #tpu.memory_space<vmem>>)
      %dma_start3A_168 = arith.constant 4 : i32
      %dma_start3A_169 = arith.constant 0 : i32
      %dma_start3A_170 = tpu.memref_slice %arg7[%dma_start3A_168, %dma_start3A_169] : memref<16x128xi32, #tpu.memory_space<vmem>> -> memref<1x128xi32, #tpu.memory_space<vmem>>
      %dma_start3A_171 = tpu.memref_squeeze %dma_start3A_170 : memref<1x128xi32, #tpu.memory_space<vmem>> -> memref<128xi32, #tpu.memory_space<vmem>>
      %dma_start3A_172 = arith.constant 0 : i32
      %dma_start3A_173 = arith.constant 0 : i32
      %dma_start3A_174 = tpu.memref_slice %arg17[%dma_start3A_172, %dma_start3A_173] : memref<100096x16xf32, #tpu.memory_space<vmem_shared>> -> memref<100096x16xf32, #tpu.memory_space<vmem_shared>>
      tpu.enqueue_indirect_dma source(%arg13 : memref<128x16xf32, #tpu.memory_space<vmem>>) target(%dma_start3A_174 : memref<100096x16xf32, #tpu.memory_space<vmem_shared>>) offsets(%dma_start3A_171 : memref<128xi32, #tpu.memory_space<vmem>>) semaphore(%arg31 : memref<!tpu.dma_semaphore, #tpu.memory_space<semaphore_mem>>) {add = true}
      %dma_wait3A_175 = arith.constant 1 : i32
      %dma_wait3A_176 = arith.constant 0 : i32
      %dma_wait3A_177 = tpu.memref_slice %arg7[%dma_wait3A_175, %dma_wait3A_176] : memref<16x128xi32, #tpu.memory_space<vmem>> -> memref<1x128xi32, #tpu.memory_space<vmem>>
      %dma_wait3A_178 = tpu.memref_squeeze %dma_wait3A_177 : memref<1x128xi32, #tpu.memory_space<vmem>> -> memref<128xi32, #tpu.memory_space<vmem>>
      %dma_wait3A_179 = arith.constant 0 : i32
      %dma_wait3A_180 = arith.constant 0 : i32
      %dma_wait3A_181 = tpu.memref_slice %arg17[%dma_wait3A_179, %dma_wait3A_180] : memref<100096x16xf32, #tpu.memory_space<vmem_shared>> -> memref<100096x16xf32, #tpu.memory_space<vmem_shared>>
      tpu.wait_indirect_dma semaphore(%arg28 : memref<!tpu.dma_semaphore, #tpu.memory_space<semaphore_mem>>) src(%arg10 : memref<128x16xf32, #tpu.memory_space<vmem>>) dst(%dma_wait3A_181 : memref<100096x16xf32, #tpu.memory_space<vmem_shared>>)
      %dma_start3A_182 = arith.constant 9 : i32
      %dma_start3A_183 = arith.constant 0 : i32
      %dma_start3A_184 = tpu.memref_slice %arg8[%dma_start3A_182, %dma_start3A_183] : memref<16x128xi32, #tpu.memory_space<vmem>> -> memref<1x128xi32, #tpu.memory_space<vmem>>
      %dma_start3A_185 = tpu.memref_squeeze %dma_start3A_184 : memref<1x128xi32, #tpu.memory_space<vmem>> -> memref<128xi32, #tpu.memory_space<vmem>>
      %dma_start3A_186 = arith.constant 0 : i32
      %dma_start3A_187 = arith.constant 0 : i32
      %dma_start3A_188 = tpu.memref_slice %arg2[%dma_start3A_186, %dma_start3A_187] : memref<100000x16xf32, #tpu.memory_space<hbm>> -> memref<100000x16xf32, #tpu.memory_space<hbm>>
      tpu.enqueue_indirect_dma source(%dma_start3A_188 : memref<100000x16xf32, #tpu.memory_space<hbm>>) target(%arg10 : memref<128x16xf32, #tpu.memory_space<vmem>>) offsets(%dma_start3A_185 : memref<128xi32, #tpu.memory_space<vmem>>) semaphore(%arg20 : memref<!tpu.dma_semaphore, #tpu.memory_space<semaphore_mem>>)
      %dma_wait3A_189 = arith.constant 5 : i32
      %dma_wait3A_190 = arith.constant 0 : i32
      %dma_wait3A_191 = tpu.memref_slice %arg8[%dma_wait3A_189, %dma_wait3A_190] : memref<16x128xi32, #tpu.memory_space<vmem>> -> memref<1x128xi32, #tpu.memory_space<vmem>>
      %dma_wait3A_192 = tpu.memref_squeeze %dma_wait3A_191 : memref<1x128xi32, #tpu.memory_space<vmem>> -> memref<128xi32, #tpu.memory_space<vmem>>
      %dma_wait3A_193 = arith.constant 0 : i32
      %dma_wait3A_194 = arith.constant 0 : i32
      %dma_wait3A_195 = tpu.memref_slice %arg2[%dma_wait3A_193, %dma_wait3A_194] : memref<100000x16xf32, #tpu.memory_space<hbm>> -> memref<100000x16xf32, #tpu.memory_space<hbm>>
      tpu.wait_indirect_dma semaphore(%arg24 : memref<!tpu.dma_semaphore, #tpu.memory_space<semaphore_mem>>) src(%dma_wait3A_195 : memref<100000x16xf32, #tpu.memory_space<hbm>>) dst(%arg14 : memref<128x16xf32, #tpu.memory_space<vmem>>)
      %dma_start3A_196 = arith.constant 5 : i32
      %dma_start3A_197 = arith.constant 0 : i32
      %dma_start3A_198 = tpu.memref_slice %arg7[%dma_start3A_196, %dma_start3A_197] : memref<16x128xi32, #tpu.memory_space<vmem>> -> memref<1x128xi32, #tpu.memory_space<vmem>>
      %dma_start3A_199 = tpu.memref_squeeze %dma_start3A_198 : memref<1x128xi32, #tpu.memory_space<vmem>> -> memref<128xi32, #tpu.memory_space<vmem>>
      %dma_start3A_200 = arith.constant 0 : i32
      %dma_start3A_201 = arith.constant 0 : i32
      %dma_start3A_202 = tpu.memref_slice %arg17[%dma_start3A_200, %dma_start3A_201] : memref<100096x16xf32, #tpu.memory_space<vmem_shared>> -> memref<100096x16xf32, #tpu.memory_space<vmem_shared>>
      tpu.enqueue_indirect_dma source(%arg14 : memref<128x16xf32, #tpu.memory_space<vmem>>) target(%dma_start3A_202 : memref<100096x16xf32, #tpu.memory_space<vmem_shared>>) offsets(%dma_start3A_199 : memref<128xi32, #tpu.memory_space<vmem>>) semaphore(%arg32 : memref<!tpu.dma_semaphore, #tpu.memory_space<semaphore_mem>>) {add = true}
      %dma_wait3A_203 = arith.constant 2 : i32
      %dma_wait3A_204 = arith.constant 0 : i32
      %dma_wait3A_205 = tpu.memref_slice %arg7[%dma_wait3A_203, %dma_wait3A_204] : memref<16x128xi32, #tpu.memory_space<vmem>> -> memref<1x128xi32, #tpu.memory_space<vmem>>
      %dma_wait3A_206 = tpu.memref_squeeze %dma_wait3A_205 : memref<1x128xi32, #tpu.memory_space<vmem>> -> memref<128xi32, #tpu.memory_space<vmem>>
      %dma_wait3A_207 = arith.constant 0 : i32
      %dma_wait3A_208 = arith.constant 0 : i32
      %dma_wait3A_209 = tpu.memref_slice %arg17[%dma_wait3A_207, %dma_wait3A_208] : memref<100096x16xf32, #tpu.memory_space<vmem_shared>> -> memref<100096x16xf32, #tpu.memory_space<vmem_shared>>
      tpu.wait_indirect_dma semaphore(%arg29 : memref<!tpu.dma_semaphore, #tpu.memory_space<semaphore_mem>>) src(%arg11 : memref<128x16xf32, #tpu.memory_space<vmem>>) dst(%dma_wait3A_209 : memref<100096x16xf32, #tpu.memory_space<vmem_shared>>)
      %dma_start3A_210 = arith.constant 10 : i32
      %dma_start3A_211 = arith.constant 0 : i32
      %dma_start3A_212 = tpu.memref_slice %arg8[%dma_start3A_210, %dma_start3A_211] : memref<16x128xi32, #tpu.memory_space<vmem>> -> memref<1x128xi32, #tpu.memory_space<vmem>>
      %dma_start3A_213 = tpu.memref_squeeze %dma_start3A_212 : memref<1x128xi32, #tpu.memory_space<vmem>> -> memref<128xi32, #tpu.memory_space<vmem>>
      %dma_start3A_214 = arith.constant 0 : i32
      %dma_start3A_215 = arith.constant 0 : i32
      %dma_start3A_216 = tpu.memref_slice %arg2[%dma_start3A_214, %dma_start3A_215] : memref<100000x16xf32, #tpu.memory_space<hbm>> -> memref<100000x16xf32, #tpu.memory_space<hbm>>
      tpu.enqueue_indirect_dma source(%dma_start3A_216 : memref<100000x16xf32, #tpu.memory_space<hbm>>) target(%arg11 : memref<128x16xf32, #tpu.memory_space<vmem>>) offsets(%dma_start3A_213 : memref<128xi32, #tpu.memory_space<vmem>>) semaphore(%arg21 : memref<!tpu.dma_semaphore, #tpu.memory_space<semaphore_mem>>)
      %dma_wait3A_217 = arith.constant 6 : i32
      %dma_wait3A_218 = arith.constant 0 : i32
      %dma_wait3A_219 = tpu.memref_slice %arg8[%dma_wait3A_217, %dma_wait3A_218] : memref<16x128xi32, #tpu.memory_space<vmem>> -> memref<1x128xi32, #tpu.memory_space<vmem>>
      %dma_wait3A_220 = tpu.memref_squeeze %dma_wait3A_219 : memref<1x128xi32, #tpu.memory_space<vmem>> -> memref<128xi32, #tpu.memory_space<vmem>>
      %dma_wait3A_221 = arith.constant 0 : i32
      %dma_wait3A_222 = arith.constant 0 : i32
      %dma_wait3A_223 = tpu.memref_slice %arg2[%dma_wait3A_221, %dma_wait3A_222] : memref<100000x16xf32, #tpu.memory_space<hbm>> -> memref<100000x16xf32, #tpu.memory_space<hbm>>
      tpu.wait_indirect_dma semaphore(%arg25 : memref<!tpu.dma_semaphore, #tpu.memory_space<semaphore_mem>>) src(%dma_wait3A_223 : memref<100000x16xf32, #tpu.memory_space<hbm>>) dst(%arg15 : memref<128x16xf32, #tpu.memory_space<vmem>>)
      %dma_start3A_224 = arith.constant 6 : i32
      %dma_start3A_225 = arith.constant 0 : i32
      %dma_start3A_226 = tpu.memref_slice %arg7[%dma_start3A_224, %dma_start3A_225] : memref<16x128xi32, #tpu.memory_space<vmem>> -> memref<1x128xi32, #tpu.memory_space<vmem>>
      %dma_start3A_227 = tpu.memref_squeeze %dma_start3A_226 : memref<1x128xi32, #tpu.memory_space<vmem>> -> memref<128xi32, #tpu.memory_space<vmem>>
      %dma_start3A_228 = arith.constant 0 : i32
      %dma_start3A_229 = arith.constant 0 : i32
      %dma_start3A_230 = tpu.memref_slice %arg17[%dma_start3A_228, %dma_start3A_229] : memref<100096x16xf32, #tpu.memory_space<vmem_shared>> -> memref<100096x16xf32, #tpu.memory_space<vmem_shared>>
      tpu.enqueue_indirect_dma source(%arg15 : memref<128x16xf32, #tpu.memory_space<vmem>>) target(%dma_start3A_230 : memref<100096x16xf32, #tpu.memory_space<vmem_shared>>) offsets(%dma_start3A_227 : memref<128xi32, #tpu.memory_space<vmem>>) semaphore(%arg33 : memref<!tpu.dma_semaphore, #tpu.memory_space<semaphore_mem>>) {add = true}
      %dma_wait3A_231 = arith.constant 3 : i32
      %dma_wait3A_232 = arith.constant 0 : i32
      %dma_wait3A_233 = tpu.memref_slice %arg7[%dma_wait3A_231, %dma_wait3A_232] : memref<16x128xi32, #tpu.memory_space<vmem>> -> memref<1x128xi32, #tpu.memory_space<vmem>>
      %dma_wait3A_234 = tpu.memref_squeeze %dma_wait3A_233 : memref<1x128xi32, #tpu.memory_space<vmem>> -> memref<128xi32, #tpu.memory_space<vmem>>
      %dma_wait3A_235 = arith.constant 0 : i32
      %dma_wait3A_236 = arith.constant 0 : i32
      %dma_wait3A_237 = tpu.memref_slice %arg17[%dma_wait3A_235, %dma_wait3A_236] : memref<100096x16xf32, #tpu.memory_space<vmem_shared>> -> memref<100096x16xf32, #tpu.memory_space<vmem_shared>>
      tpu.wait_indirect_dma semaphore(%arg30 : memref<!tpu.dma_semaphore, #tpu.memory_space<semaphore_mem>>) src(%arg12 : memref<128x16xf32, #tpu.memory_space<vmem>>) dst(%dma_wait3A_237 : memref<100096x16xf32, #tpu.memory_space<vmem_shared>>)
      %dma_start3A_238 = arith.constant 11 : i32
      %dma_start3A_239 = arith.constant 0 : i32
      %dma_start3A_240 = tpu.memref_slice %arg8[%dma_start3A_238, %dma_start3A_239] : memref<16x128xi32, #tpu.memory_space<vmem>> -> memref<1x128xi32, #tpu.memory_space<vmem>>
      %dma_start3A_241 = tpu.memref_squeeze %dma_start3A_240 : memref<1x128xi32, #tpu.memory_space<vmem>> -> memref<128xi32, #tpu.memory_space<vmem>>
      %dma_start3A_242 = arith.constant 0 : i32
      %dma_start3A_243 = arith.constant 0 : i32
      %dma_start3A_244 = tpu.memref_slice %arg2[%dma_start3A_242, %dma_start3A_243] : memref<100000x16xf32, #tpu.memory_space<hbm>> -> memref<100000x16xf32, #tpu.memory_space<hbm>>
      tpu.enqueue_indirect_dma source(%dma_start3A_244 : memref<100000x16xf32, #tpu.memory_space<hbm>>) target(%arg12 : memref<128x16xf32, #tpu.memory_space<vmem>>) offsets(%dma_start3A_241 : memref<128xi32, #tpu.memory_space<vmem>>) semaphore(%arg22 : memref<!tpu.dma_semaphore, #tpu.memory_space<semaphore_mem>>)
      %dma_wait3A_245 = arith.constant 7 : i32
      %dma_wait3A_246 = arith.constant 0 : i32
      %dma_wait3A_247 = tpu.memref_slice %arg8[%dma_wait3A_245, %dma_wait3A_246] : memref<16x128xi32, #tpu.memory_space<vmem>> -> memref<1x128xi32, #tpu.memory_space<vmem>>
      %dma_wait3A_248 = tpu.memref_squeeze %dma_wait3A_247 : memref<1x128xi32, #tpu.memory_space<vmem>> -> memref<128xi32, #tpu.memory_space<vmem>>
      %dma_wait3A_249 = arith.constant 0 : i32
      %dma_wait3A_250 = arith.constant 0 : i32
      %dma_wait3A_251 = tpu.memref_slice %arg2[%dma_wait3A_249, %dma_wait3A_250] : memref<100000x16xf32, #tpu.memory_space<hbm>> -> memref<100000x16xf32, #tpu.memory_space<hbm>>
      tpu.wait_indirect_dma semaphore(%arg26 : memref<!tpu.dma_semaphore, #tpu.memory_space<semaphore_mem>>) src(%dma_wait3A_251 : memref<100000x16xf32, #tpu.memory_space<hbm>>) dst(%arg16 : memref<128x16xf32, #tpu.memory_space<vmem>>)
      %dma_start3A_252 = arith.constant 7 : i32
      %dma_start3A_253 = arith.constant 0 : i32
      %dma_start3A_254 = tpu.memref_slice %arg7[%dma_start3A_252, %dma_start3A_253] : memref<16x128xi32, #tpu.memory_space<vmem>> -> memref<1x128xi32, #tpu.memory_space<vmem>>
      %dma_start3A_255 = tpu.memref_squeeze %dma_start3A_254 : memref<1x128xi32, #tpu.memory_space<vmem>> -> memref<128xi32, #tpu.memory_space<vmem>>
      %dma_start3A_256 = arith.constant 0 : i32
      %dma_start3A_257 = arith.constant 0 : i32
      %dma_start3A_258 = tpu.memref_slice %arg17[%dma_start3A_256, %dma_start3A_257] : memref<100096x16xf32, #tpu.memory_space<vmem_shared>> -> memref<100096x16xf32, #tpu.memory_space<vmem_shared>>
      tpu.enqueue_indirect_dma source(%arg16 : memref<128x16xf32, #tpu.memory_space<vmem>>) target(%dma_start3A_258 : memref<100096x16xf32, #tpu.memory_space<vmem_shared>>) offsets(%dma_start3A_255 : memref<128xi32, #tpu.memory_space<vmem>>) semaphore(%arg34 : memref<!tpu.dma_semaphore, #tpu.memory_space<semaphore_mem>>) {add = true}
      %dma_wait3A_259 = arith.constant 4 : i32
      %dma_wait3A_260 = arith.constant 0 : i32
      %dma_wait3A_261 = tpu.memref_slice %arg7[%dma_wait3A_259, %dma_wait3A_260] : memref<16x128xi32, #tpu.memory_space<vmem>> -> memref<1x128xi32, #tpu.memory_space<vmem>>
      %dma_wait3A_262 = tpu.memref_squeeze %dma_wait3A_261 : memref<1x128xi32, #tpu.memory_space<vmem>> -> memref<128xi32, #tpu.memory_space<vmem>>
      %dma_wait3A_263 = arith.constant 0 : i32
      %dma_wait3A_264 = arith.constant 0 : i32
      %dma_wait3A_265 = tpu.memref_slice %arg17[%dma_wait3A_263, %dma_wait3A_264] : memref<100096x16xf32, #tpu.memory_space<vmem_shared>> -> memref<100096x16xf32, #tpu.memory_space<vmem_shared>>
      tpu.wait_indirect_dma semaphore(%arg31 : memref<!tpu.dma_semaphore, #tpu.memory_space<semaphore_mem>>) src(%arg13 : memref<128x16xf32, #tpu.memory_space<vmem>>) dst(%dma_wait3A_265 : memref<100096x16xf32, #tpu.memory_space<vmem_shared>>)
      %dma_start3A_266 = arith.constant 12 : i32
      %dma_start3A_267 = arith.constant 0 : i32
      %dma_start3A_268 = tpu.memref_slice %arg8[%dma_start3A_266, %dma_start3A_267] : memref<16x128xi32, #tpu.memory_space<vmem>> -> memref<1x128xi32, #tpu.memory_space<vmem>>
      %dma_start3A_269 = tpu.memref_squeeze %dma_start3A_268 : memref<1x128xi32, #tpu.memory_space<vmem>> -> memref<128xi32, #tpu.memory_space<vmem>>
      %dma_start3A_270 = arith.constant 0 : i32
      %dma_start3A_271 = arith.constant 0 : i32
      %dma_start3A_272 = tpu.memref_slice %arg2[%dma_start3A_270, %dma_start3A_271] : memref<100000x16xf32, #tpu.memory_space<hbm>> -> memref<100000x16xf32, #tpu.memory_space<hbm>>
      tpu.enqueue_indirect_dma source(%dma_start3A_272 : memref<100000x16xf32, #tpu.memory_space<hbm>>) target(%arg13 : memref<128x16xf32, #tpu.memory_space<vmem>>) offsets(%dma_start3A_269 : memref<128xi32, #tpu.memory_space<vmem>>) semaphore(%arg23 : memref<!tpu.dma_semaphore, #tpu.memory_space<semaphore_mem>>)
      %dma_wait3A_273 = arith.constant 8 : i32
      %dma_wait3A_274 = arith.constant 0 : i32
      %dma_wait3A_275 = tpu.memref_slice %arg8[%dma_wait3A_273, %dma_wait3A_274] : memref<16x128xi32, #tpu.memory_space<vmem>> -> memref<1x128xi32, #tpu.memory_space<vmem>>
      %dma_wait3A_276 = tpu.memref_squeeze %dma_wait3A_275 : memref<1x128xi32, #tpu.memory_space<vmem>> -> memref<128xi32, #tpu.memory_space<vmem>>
      %dma_wait3A_277 = arith.constant 0 : i32
      %dma_wait3A_278 = arith.constant 0 : i32
      %dma_wait3A_279 = tpu.memref_slice %arg2[%dma_wait3A_277, %dma_wait3A_278] : memref<100000x16xf32, #tpu.memory_space<hbm>> -> memref<100000x16xf32, #tpu.memory_space<hbm>>
      tpu.wait_indirect_dma semaphore(%arg19 : memref<!tpu.dma_semaphore, #tpu.memory_space<semaphore_mem>>) src(%dma_wait3A_279 : memref<100000x16xf32, #tpu.memory_space<hbm>>) dst(%arg9 : memref<128x16xf32, #tpu.memory_space<vmem>>)
      %dma_start3A_280 = arith.constant 8 : i32
      %dma_start3A_281 = arith.constant 0 : i32
      %dma_start3A_282 = tpu.memref_slice %arg7[%dma_start3A_280, %dma_start3A_281] : memref<16x128xi32, #tpu.memory_space<vmem>> -> memref<1x128xi32, #tpu.memory_space<vmem>>
      %dma_start3A_283 = tpu.memref_squeeze %dma_start3A_282 : memref<1x128xi32, #tpu.memory_space<vmem>> -> memref<128xi32, #tpu.memory_space<vmem>>
      %dma_start3A_284 = arith.constant 0 : i32
      %dma_start3A_285 = arith.constant 0 : i32
      %dma_start3A_286 = tpu.memref_slice %arg17[%dma_start3A_284, %dma_start3A_285] : memref<100096x16xf32, #tpu.memory_space<vmem_shared>> -> memref<100096x16xf32, #tpu.memory_space<vmem_shared>>
      tpu.enqueue_indirect_dma source(%arg9 : memref<128x16xf32, #tpu.memory_space<vmem>>) target(%dma_start3A_286 : memref<100096x16xf32, #tpu.memory_space<vmem_shared>>) offsets(%dma_start3A_283 : memref<128xi32, #tpu.memory_space<vmem>>) semaphore(%arg27 : memref<!tpu.dma_semaphore, #tpu.memory_space<semaphore_mem>>) {add = true}
      %dma_wait3A_287 = arith.constant 5 : i32
      %dma_wait3A_288 = arith.constant 0 : i32
      %dma_wait3A_289 = tpu.memref_slice %arg7[%dma_wait3A_287, %dma_wait3A_288] : memref<16x128xi32, #tpu.memory_space<vmem>> -> memref<1x128xi32, #tpu.memory_space<vmem>>
      %dma_wait3A_290 = tpu.memref_squeeze %dma_wait3A_289 : memref<1x128xi32, #tpu.memory_space<vmem>> -> memref<128xi32, #tpu.memory_space<vmem>>
      %dma_wait3A_291 = arith.constant 0 : i32
      %dma_wait3A_292 = arith.constant 0 : i32
      %dma_wait3A_293 = tpu.memref_slice %arg17[%dma_wait3A_291, %dma_wait3A_292] : memref<100096x16xf32, #tpu.memory_space<vmem_shared>> -> memref<100096x16xf32, #tpu.memory_space<vmem_shared>>
      tpu.wait_indirect_dma semaphore(%arg32 : memref<!tpu.dma_semaphore, #tpu.memory_space<semaphore_mem>>) src(%arg14 : memref<128x16xf32, #tpu.memory_space<vmem>>) dst(%dma_wait3A_293 : memref<100096x16xf32, #tpu.memory_space<vmem_shared>>)
      %dma_start3A_294 = arith.constant 13 : i32
      %dma_start3A_295 = arith.constant 0 : i32
      %dma_start3A_296 = tpu.memref_slice %arg8[%dma_start3A_294, %dma_start3A_295] : memref<16x128xi32, #tpu.memory_space<vmem>> -> memref<1x128xi32, #tpu.memory_space<vmem>>
      %dma_start3A_297 = tpu.memref_squeeze %dma_start3A_296 : memref<1x128xi32, #tpu.memory_space<vmem>> -> memref<128xi32, #tpu.memory_space<vmem>>
      %dma_start3A_298 = arith.constant 0 : i32
      %dma_start3A_299 = arith.constant 0 : i32
      %dma_start3A_300 = tpu.memref_slice %arg2[%dma_start3A_298, %dma_start3A_299] : memref<100000x16xf32, #tpu.memory_space<hbm>> -> memref<100000x16xf32, #tpu.memory_space<hbm>>
      tpu.enqueue_indirect_dma source(%dma_start3A_300 : memref<100000x16xf32, #tpu.memory_space<hbm>>) target(%arg14 : memref<128x16xf32, #tpu.memory_space<vmem>>) offsets(%dma_start3A_297 : memref<128xi32, #tpu.memory_space<vmem>>) semaphore(%arg24 : memref<!tpu.dma_semaphore, #tpu.memory_space<semaphore_mem>>)
      %dma_wait3A_301 = arith.constant 9 : i32
      %dma_wait3A_302 = arith.constant 0 : i32
      %dma_wait3A_303 = tpu.memref_slice %arg8[%dma_wait3A_301, %dma_wait3A_302] : memref<16x128xi32, #tpu.memory_space<vmem>> -> memref<1x128xi32, #tpu.memory_space<vmem>>
      %dma_wait3A_304 = tpu.memref_squeeze %dma_wait3A_303 : memref<1x128xi32, #tpu.memory_space<vmem>> -> memref<128xi32, #tpu.memory_space<vmem>>
      %dma_wait3A_305 = arith.constant 0 : i32
      %dma_wait3A_306 = arith.constant 0 : i32
      %dma_wait3A_307 = tpu.memref_slice %arg2[%dma_wait3A_305, %dma_wait3A_306] : memref<100000x16xf32, #tpu.memory_space<hbm>> -> memref<100000x16xf32, #tpu.memory_space<hbm>>
      tpu.wait_indirect_dma semaphore(%arg20 : memref<!tpu.dma_semaphore, #tpu.memory_space<semaphore_mem>>) src(%dma_wait3A_307 : memref<100000x16xf32, #tpu.memory_space<hbm>>) dst(%arg10 : memref<128x16xf32, #tpu.memory_space<vmem>>)
      %dma_start3A_308 = arith.constant 9 : i32
      %dma_start3A_309 = arith.constant 0 : i32
      %dma_start3A_310 = tpu.memref_slice %arg7[%dma_start3A_308, %dma_start3A_309] : memref<16x128xi32, #tpu.memory_space<vmem>> -> memref<1x128xi32, #tpu.memory_space<vmem>>
      %dma_start3A_311 = tpu.memref_squeeze %dma_start3A_310 : memref<1x128xi32, #tpu.memory_space<vmem>> -> memref<128xi32, #tpu.memory_space<vmem>>
      %dma_start3A_312 = arith.constant 0 : i32
      %dma_start3A_313 = arith.constant 0 : i32
      %dma_start3A_314 = tpu.memref_slice %arg17[%dma_start3A_312, %dma_start3A_313] : memref<100096x16xf32, #tpu.memory_space<vmem_shared>> -> memref<100096x16xf32, #tpu.memory_space<vmem_shared>>
      tpu.enqueue_indirect_dma source(%arg10 : memref<128x16xf32, #tpu.memory_space<vmem>>) target(%dma_start3A_314 : memref<100096x16xf32, #tpu.memory_space<vmem_shared>>) offsets(%dma_start3A_311 : memref<128xi32, #tpu.memory_space<vmem>>) semaphore(%arg28 : memref<!tpu.dma_semaphore, #tpu.memory_space<semaphore_mem>>) {add = true}
      %dma_wait3A_315 = arith.constant 6 : i32
      %dma_wait3A_316 = arith.constant 0 : i32
      %dma_wait3A_317 = tpu.memref_slice %arg7[%dma_wait3A_315, %dma_wait3A_316] : memref<16x128xi32, #tpu.memory_space<vmem>> -> memref<1x128xi32, #tpu.memory_space<vmem>>
      %dma_wait3A_318 = tpu.memref_squeeze %dma_wait3A_317 : memref<1x128xi32, #tpu.memory_space<vmem>> -> memref<128xi32, #tpu.memory_space<vmem>>
      %dma_wait3A_319 = arith.constant 0 : i32
      %dma_wait3A_320 = arith.constant 0 : i32
      %dma_wait3A_321 = tpu.memref_slice %arg17[%dma_wait3A_319, %dma_wait3A_320] : memref<100096x16xf32, #tpu.memory_space<vmem_shared>> -> memref<100096x16xf32, #tpu.memory_space<vmem_shared>>
      tpu.wait_indirect_dma semaphore(%arg33 : memref<!tpu.dma_semaphore, #tpu.memory_space<semaphore_mem>>) src(%arg15 : memref<128x16xf32, #tpu.memory_space<vmem>>) dst(%dma_wait3A_321 : memref<100096x16xf32, #tpu.memory_space<vmem_shared>>)
      %dma_start3A_322 = arith.constant 14 : i32
      %dma_start3A_323 = arith.constant 0 : i32
      %dma_start3A_324 = tpu.memref_slice %arg8[%dma_start3A_322, %dma_start3A_323] : memref<16x128xi32, #tpu.memory_space<vmem>> -> memref<1x128xi32, #tpu.memory_space<vmem>>
      %dma_start3A_325 = tpu.memref_squeeze %dma_start3A_324 : memref<1x128xi32, #tpu.memory_space<vmem>> -> memref<128xi32, #tpu.memory_space<vmem>>
      %dma_start3A_326 = arith.constant 0 : i32
      %dma_start3A_327 = arith.constant 0 : i32
      %dma_start3A_328 = tpu.memref_slice %arg2[%dma_start3A_326, %dma_start3A_327] : memref<100000x16xf32, #tpu.memory_space<hbm>> -> memref<100000x16xf32, #tpu.memory_space<hbm>>
      tpu.enqueue_indirect_dma source(%dma_start3A_328 : memref<100000x16xf32, #tpu.memory_space<hbm>>) target(%arg15 : memref<128x16xf32, #tpu.memory_space<vmem>>) offsets(%dma_start3A_325 : memref<128xi32, #tpu.memory_space<vmem>>) semaphore(%arg25 : memref<!tpu.dma_semaphore, #tpu.memory_space<semaphore_mem>>)
      %dma_wait3A_329 = arith.constant 10 : i32
      %dma_wait3A_330 = arith.constant 0 : i32
      %dma_wait3A_331 = tpu.memref_slice %arg8[%dma_wait3A_329, %dma_wait3A_330] : memref<16x128xi32, #tpu.memory_space<vmem>> -> memref<1x128xi32, #tpu.memory_space<vmem>>
      %dma_wait3A_332 = tpu.memref_squeeze %dma_wait3A_331 : memref<1x128xi32, #tpu.memory_space<vmem>> -> memref<128xi32, #tpu.memory_space<vmem>>
      %dma_wait3A_333 = arith.constant 0 : i32
      %dma_wait3A_334 = arith.constant 0 : i32
      %dma_wait3A_335 = tpu.memref_slice %arg2[%dma_wait3A_333, %dma_wait3A_334] : memref<100000x16xf32, #tpu.memory_space<hbm>> -> memref<100000x16xf32, #tpu.memory_space<hbm>>
      tpu.wait_indirect_dma semaphore(%arg21 : memref<!tpu.dma_semaphore, #tpu.memory_space<semaphore_mem>>) src(%dma_wait3A_335 : memref<100000x16xf32, #tpu.memory_space<hbm>>) dst(%arg11 : memref<128x16xf32, #tpu.memory_space<vmem>>)
      %dma_start3A_336 = arith.constant 10 : i32
      %dma_start3A_337 = arith.constant 0 : i32
      %dma_start3A_338 = tpu.memref_slice %arg7[%dma_start3A_336, %dma_start3A_337] : memref<16x128xi32, #tpu.memory_space<vmem>> -> memref<1x128xi32, #tpu.memory_space<vmem>>
      %dma_start3A_339 = tpu.memref_squeeze %dma_start3A_338 : memref<1x128xi32, #tpu.memory_space<vmem>> -> memref<128xi32, #tpu.memory_space<vmem>>
      %dma_start3A_340 = arith.constant 0 : i32
      %dma_start3A_341 = arith.constant 0 : i32
      %dma_start3A_342 = tpu.memref_slice %arg17[%dma_start3A_340, %dma_start3A_341] : memref<100096x16xf32, #tpu.memory_space<vmem_shared>> -> memref<100096x16xf32, #tpu.memory_space<vmem_shared>>
      tpu.enqueue_indirect_dma source(%arg11 : memref<128x16xf32, #tpu.memory_space<vmem>>) target(%dma_start3A_342 : memref<100096x16xf32, #tpu.memory_space<vmem_shared>>) offsets(%dma_start3A_339 : memref<128xi32, #tpu.memory_space<vmem>>) semaphore(%arg29 : memref<!tpu.dma_semaphore, #tpu.memory_space<semaphore_mem>>) {add = true}
      %dma_wait3A_343 = arith.constant 7 : i32
      %dma_wait3A_344 = arith.constant 0 : i32
      %dma_wait3A_345 = tpu.memref_slice %arg7[%dma_wait3A_343, %dma_wait3A_344] : memref<16x128xi32, #tpu.memory_space<vmem>> -> memref<1x128xi32, #tpu.memory_space<vmem>>
      %dma_wait3A_346 = tpu.memref_squeeze %dma_wait3A_345 : memref<1x128xi32, #tpu.memory_space<vmem>> -> memref<128xi32, #tpu.memory_space<vmem>>
      %dma_wait3A_347 = arith.constant 0 : i32
      %dma_wait3A_348 = arith.constant 0 : i32
      %dma_wait3A_349 = tpu.memref_slice %arg17[%dma_wait3A_347, %dma_wait3A_348] : memref<100096x16xf32, #tpu.memory_space<vmem_shared>> -> memref<100096x16xf32, #tpu.memory_space<vmem_shared>>
      tpu.wait_indirect_dma semaphore(%arg34 : memref<!tpu.dma_semaphore, #tpu.memory_space<semaphore_mem>>) src(%arg16 : memref<128x16xf32, #tpu.memory_space<vmem>>) dst(%dma_wait3A_349 : memref<100096x16xf32, #tpu.memory_space<vmem_shared>>)
      %dma_start3A_350 = arith.constant 15 : i32
      %dma_start3A_351 = arith.constant 0 : i32
      %dma_start3A_352 = tpu.memref_slice %arg8[%dma_start3A_350, %dma_start3A_351] : memref<16x128xi32, #tpu.memory_space<vmem>> -> memref<1x128xi32, #tpu.memory_space<vmem>>
      %dma_start3A_353 = tpu.memref_squeeze %dma_start3A_352 : memref<1x128xi32, #tpu.memory_space<vmem>> -> memref<128xi32, #tpu.memory_space<vmem>>
      %dma_start3A_354 = arith.constant 0 : i32
      %dma_start3A_355 = arith.constant 0 : i32
      %dma_start3A_356 = tpu.memref_slice %arg2[%dma_start3A_354, %dma_start3A_355] : memref<100000x16xf32, #tpu.memory_space<hbm>> -> memref<100000x16xf32, #tpu.memory_space<hbm>>
      tpu.enqueue_indirect_dma source(%dma_start3A_356 : memref<100000x16xf32, #tpu.memory_space<hbm>>) target(%arg16 : memref<128x16xf32, #tpu.memory_space<vmem>>) offsets(%dma_start3A_353 : memref<128xi32, #tpu.memory_space<vmem>>) semaphore(%arg26 : memref<!tpu.dma_semaphore, #tpu.memory_space<semaphore_mem>>)
      %dma_wait3A_357 = arith.constant 11 : i32
      %dma_wait3A_358 = arith.constant 0 : i32
      %dma_wait3A_359 = tpu.memref_slice %arg8[%dma_wait3A_357, %dma_wait3A_358] : memref<16x128xi32, #tpu.memory_space<vmem>> -> memref<1x128xi32, #tpu.memory_space<vmem>>
      %dma_wait3A_360 = tpu.memref_squeeze %dma_wait3A_359 : memref<1x128xi32, #tpu.memory_space<vmem>> -> memref<128xi32, #tpu.memory_space<vmem>>
      %dma_wait3A_361 = arith.constant 0 : i32
      %dma_wait3A_362 = arith.constant 0 : i32
      %dma_wait3A_363 = tpu.memref_slice %arg2[%dma_wait3A_361, %dma_wait3A_362] : memref<100000x16xf32, #tpu.memory_space<hbm>> -> memref<100000x16xf32, #tpu.memory_space<hbm>>
      tpu.wait_indirect_dma semaphore(%arg22 : memref<!tpu.dma_semaphore, #tpu.memory_space<semaphore_mem>>) src(%dma_wait3A_363 : memref<100000x16xf32, #tpu.memory_space<hbm>>) dst(%arg12 : memref<128x16xf32, #tpu.memory_space<vmem>>)
      %dma_start3A_364 = arith.constant 11 : i32
      %dma_start3A_365 = arith.constant 0 : i32
      %dma_start3A_366 = tpu.memref_slice %arg7[%dma_start3A_364, %dma_start3A_365] : memref<16x128xi32, #tpu.memory_space<vmem>> -> memref<1x128xi32, #tpu.memory_space<vmem>>
      %dma_start3A_367 = tpu.memref_squeeze %dma_start3A_366 : memref<1x128xi32, #tpu.memory_space<vmem>> -> memref<128xi32, #tpu.memory_space<vmem>>
      %dma_start3A_368 = arith.constant 0 : i32
      %dma_start3A_369 = arith.constant 0 : i32
      %dma_start3A_370 = tpu.memref_slice %arg17[%dma_start3A_368, %dma_start3A_369] : memref<100096x16xf32, #tpu.memory_space<vmem_shared>> -> memref<100096x16xf32, #tpu.memory_space<vmem_shared>>
      tpu.enqueue_indirect_dma source(%arg12 : memref<128x16xf32, #tpu.memory_space<vmem>>) target(%dma_start3A_370 : memref<100096x16xf32, #tpu.memory_space<vmem_shared>>) offsets(%dma_start3A_367 : memref<128xi32, #tpu.memory_space<vmem>>) semaphore(%arg30 : memref<!tpu.dma_semaphore, #tpu.memory_space<semaphore_mem>>) {add = true}
      %dma_wait3A_371 = arith.constant 12 : i32
      %dma_wait3A_372 = arith.constant 0 : i32
      %dma_wait3A_373 = tpu.memref_slice %arg8[%dma_wait3A_371, %dma_wait3A_372] : memref<16x128xi32, #tpu.memory_space<vmem>> -> memref<1x128xi32, #tpu.memory_space<vmem>>
      %dma_wait3A_374 = tpu.memref_squeeze %dma_wait3A_373 : memref<1x128xi32, #tpu.memory_space<vmem>> -> memref<128xi32, #tpu.memory_space<vmem>>
      %dma_wait3A_375 = arith.constant 0 : i32
      %dma_wait3A_376 = arith.constant 0 : i32
      %dma_wait3A_377 = tpu.memref_slice %arg2[%dma_wait3A_375, %dma_wait3A_376] : memref<100000x16xf32, #tpu.memory_space<hbm>> -> memref<100000x16xf32, #tpu.memory_space<hbm>>
      tpu.wait_indirect_dma semaphore(%arg23 : memref<!tpu.dma_semaphore, #tpu.memory_space<semaphore_mem>>) src(%dma_wait3A_377 : memref<100000x16xf32, #tpu.memory_space<hbm>>) dst(%arg13 : memref<128x16xf32, #tpu.memory_space<vmem>>)
      %dma_start3A_378 = arith.constant 12 : i32
      %dma_start3A_379 = arith.constant 0 : i32
      %dma_start3A_380 = tpu.memref_slice %arg7[%dma_start3A_378, %dma_start3A_379] : memref<16x128xi32, #tpu.memory_space<vmem>> -> memref<1x128xi32, #tpu.memory_space<vmem>>
      %dma_start3A_381 = tpu.memref_squeeze %dma_start3A_380 : memref<1x128xi32, #tpu.memory_space<vmem>> -> memref<128xi32, #tpu.memory_space<vmem>>
      %dma_start3A_382 = arith.constant 0 : i32
      %dma_start3A_383 = arith.constant 0 : i32
      %dma_start3A_384 = tpu.memref_slice %arg17[%dma_start3A_382, %dma_start3A_383] : memref<100096x16xf32, #tpu.memory_space<vmem_shared>> -> memref<100096x16xf32, #tpu.memory_space<vmem_shared>>
      tpu.enqueue_indirect_dma source(%arg13 : memref<128x16xf32, #tpu.memory_space<vmem>>) target(%dma_start3A_384 : memref<100096x16xf32, #tpu.memory_space<vmem_shared>>) offsets(%dma_start3A_381 : memref<128xi32, #tpu.memory_space<vmem>>) semaphore(%arg31 : memref<!tpu.dma_semaphore, #tpu.memory_space<semaphore_mem>>) {add = true}
      %dma_wait3A_385 = arith.constant 13 : i32
      %dma_wait3A_386 = arith.constant 0 : i32
      %dma_wait3A_387 = tpu.memref_slice %arg8[%dma_wait3A_385, %dma_wait3A_386] : memref<16x128xi32, #tpu.memory_space<vmem>> -> memref<1x128xi32, #tpu.memory_space<vmem>>
      %dma_wait3A_388 = tpu.memref_squeeze %dma_wait3A_387 : memref<1x128xi32, #tpu.memory_space<vmem>> -> memref<128xi32, #tpu.memory_space<vmem>>
      %dma_wait3A_389 = arith.constant 0 : i32
      %dma_wait3A_390 = arith.constant 0 : i32
      %dma_wait3A_391 = tpu.memref_slice %arg2[%dma_wait3A_389, %dma_wait3A_390] : memref<100000x16xf32, #tpu.memory_space<hbm>> -> memref<100000x16xf32, #tpu.memory_space<hbm>>
      tpu.wait_indirect_dma semaphore(%arg24 : memref<!tpu.dma_semaphore, #tpu.memory_space<semaphore_mem>>) src(%dma_wait3A_391 : memref<100000x16xf32, #tpu.memory_space<hbm>>) dst(%arg14 : memref<128x16xf32, #tpu.memory_space<vmem>>)
      %dma_start3A_392 = arith.constant 13 : i32
      %dma_start3A_393 = arith.constant 0 : i32
      %dma_start3A_394 = tpu.memref_slice %arg7[%dma_start3A_392, %dma_start3A_393] : memref<16x128xi32, #tpu.memory_space<vmem>> -> memref<1x128xi32, #tpu.memory_space<vmem>>
      %dma_start3A_395 = tpu.memref_squeeze %dma_start3A_394 : memref<1x128xi32, #tpu.memory_space<vmem>> -> memref<128xi32, #tpu.memory_space<vmem>>
      %dma_start3A_396 = arith.constant 0 : i32
      %dma_start3A_397 = arith.constant 0 : i32
      %dma_start3A_398 = tpu.memref_slice %arg17[%dma_start3A_396, %dma_start3A_397] : memref<100096x16xf32, #tpu.memory_space<vmem_shared>> -> memref<100096x16xf32, #tpu.memory_space<vmem_shared>>
      tpu.enqueue_indirect_dma source(%arg14 : memref<128x16xf32, #tpu.memory_space<vmem>>) target(%dma_start3A_398 : memref<100096x16xf32, #tpu.memory_space<vmem_shared>>) offsets(%dma_start3A_395 : memref<128xi32, #tpu.memory_space<vmem>>) semaphore(%arg32 : memref<!tpu.dma_semaphore, #tpu.memory_space<semaphore_mem>>) {add = true}
      %dma_wait3A_399 = arith.constant 14 : i32
      %dma_wait3A_400 = arith.constant 0 : i32
      %dma_wait3A_401 = tpu.memref_slice %arg8[%dma_wait3A_399, %dma_wait3A_400] : memref<16x128xi32, #tpu.memory_space<vmem>> -> memref<1x128xi32, #tpu.memory_space<vmem>>
      %dma_wait3A_402 = tpu.memref_squeeze %dma_wait3A_401 : memref<1x128xi32, #tpu.memory_space<vmem>> -> memref<128xi32, #tpu.memory_space<vmem>>
      %dma_wait3A_403 = arith.constant 0 : i32
      %dma_wait3A_404 = arith.constant 0 : i32
      %dma_wait3A_405 = tpu.memref_slice %arg2[%dma_wait3A_403, %dma_wait3A_404] : memref<100000x16xf32, #tpu.memory_space<hbm>> -> memref<100000x16xf32, #tpu.memory_space<hbm>>
      tpu.wait_indirect_dma semaphore(%arg25 : memref<!tpu.dma_semaphore, #tpu.memory_space<semaphore_mem>>) src(%dma_wait3A_405 : memref<100000x16xf32, #tpu.memory_space<hbm>>) dst(%arg15 : memref<128x16xf32, #tpu.memory_space<vmem>>)
      %dma_start3A_406 = arith.constant 14 : i32
      %dma_start3A_407 = arith.constant 0 : i32
      %dma_start3A_408 = tpu.memref_slice %arg7[%dma_start3A_406, %dma_start3A_407] : memref<16x128xi32, #tpu.memory_space<vmem>> -> memref<1x128xi32, #tpu.memory_space<vmem>>
      %dma_start3A_409 = tpu.memref_squeeze %dma_start3A_408 : memref<1x128xi32, #tpu.memory_space<vmem>> -> memref<128xi32, #tpu.memory_space<vmem>>
      %dma_start3A_410 = arith.constant 0 : i32
      %dma_start3A_411 = arith.constant 0 : i32
      %dma_start3A_412 = tpu.memref_slice %arg17[%dma_start3A_410, %dma_start3A_411] : memref<100096x16xf32, #tpu.memory_space<vmem_shared>> -> memref<100096x16xf32, #tpu.memory_space<vmem_shared>>
      tpu.enqueue_indirect_dma source(%arg15 : memref<128x16xf32, #tpu.memory_space<vmem>>) target(%dma_start3A_412 : memref<100096x16xf32, #tpu.memory_space<vmem_shared>>) offsets(%dma_start3A_409 : memref<128xi32, #tpu.memory_space<vmem>>) semaphore(%arg33 : memref<!tpu.dma_semaphore, #tpu.memory_space<semaphore_mem>>) {add = true}
      %dma_wait3A_413 = arith.constant 15 : i32
      %dma_wait3A_414 = arith.constant 0 : i32
      %dma_wait3A_415 = tpu.memref_slice %arg8[%dma_wait3A_413, %dma_wait3A_414] : memref<16x128xi32, #tpu.memory_space<vmem>> -> memref<1x128xi32, #tpu.memory_space<vmem>>
      %dma_wait3A_416 = tpu.memref_squeeze %dma_wait3A_415 : memref<1x128xi32, #tpu.memory_space<vmem>> -> memref<128xi32, #tpu.memory_space<vmem>>
      %dma_wait3A_417 = arith.constant 0 : i32
      %dma_wait3A_418 = arith.constant 0 : i32
      %dma_wait3A_419 = tpu.memref_slice %arg2[%dma_wait3A_417, %dma_wait3A_418] : memref<100000x16xf32, #tpu.memory_space<hbm>> -> memref<100000x16xf32, #tpu.memory_space<hbm>>
      tpu.wait_indirect_dma semaphore(%arg26 : memref<!tpu.dma_semaphore, #tpu.memory_space<semaphore_mem>>) src(%dma_wait3A_419 : memref<100000x16xf32, #tpu.memory_space<hbm>>) dst(%arg16 : memref<128x16xf32, #tpu.memory_space<vmem>>)
      %dma_start3A_420 = arith.constant 15 : i32
      %dma_start3A_421 = arith.constant 0 : i32
      %dma_start3A_422 = tpu.memref_slice %arg7[%dma_start3A_420, %dma_start3A_421] : memref<16x128xi32, #tpu.memory_space<vmem>> -> memref<1x128xi32, #tpu.memory_space<vmem>>
      %dma_start3A_423 = tpu.memref_squeeze %dma_start3A_422 : memref<1x128xi32, #tpu.memory_space<vmem>> -> memref<128xi32, #tpu.memory_space<vmem>>
      %dma_start3A_424 = arith.constant 0 : i32
      %dma_start3A_425 = arith.constant 0 : i32
      %dma_start3A_426 = tpu.memref_slice %arg17[%dma_start3A_424, %dma_start3A_425] : memref<100096x16xf32, #tpu.memory_space<vmem_shared>> -> memref<100096x16xf32, #tpu.memory_space<vmem_shared>>
      tpu.enqueue_indirect_dma source(%arg16 : memref<128x16xf32, #tpu.memory_space<vmem>>) target(%dma_start3A_426 : memref<100096x16xf32, #tpu.memory_space<vmem_shared>>) offsets(%dma_start3A_423 : memref<128xi32, #tpu.memory_space<vmem>>) semaphore(%arg34 : memref<!tpu.dma_semaphore, #tpu.memory_space<semaphore_mem>>) {add = true}
      %dma_wait3A_427 = arith.constant 8 : i32
      %dma_wait3A_428 = arith.constant 0 : i32
      %dma_wait3A_429 = tpu.memref_slice %arg7[%dma_wait3A_427, %dma_wait3A_428] : memref<16x128xi32, #tpu.memory_space<vmem>> -> memref<1x128xi32, #tpu.memory_space<vmem>>
      %dma_wait3A_430 = tpu.memref_squeeze %dma_wait3A_429 : memref<1x128xi32, #tpu.memory_space<vmem>> -> memref<128xi32, #tpu.memory_space<vmem>>
      %dma_wait3A_431 = arith.constant 0 : i32
      %dma_wait3A_432 = arith.constant 0 : i32
      %dma_wait3A_433 = tpu.memref_slice %arg17[%dma_wait3A_431, %dma_wait3A_432] : memref<100096x16xf32, #tpu.memory_space<vmem_shared>> -> memref<100096x16xf32, #tpu.memory_space<vmem_shared>>
      tpu.wait_indirect_dma semaphore(%arg27 : memref<!tpu.dma_semaphore, #tpu.memory_space<semaphore_mem>>) src(%arg9 : memref<128x16xf32, #tpu.memory_space<vmem>>) dst(%dma_wait3A_433 : memref<100096x16xf32, #tpu.memory_space<vmem_shared>>)
      %dma_wait3A_434 = arith.constant 9 : i32
      %dma_wait3A_435 = arith.constant 0 : i32
      %dma_wait3A_436 = tpu.memref_slice %arg7[%dma_wait3A_434, %dma_wait3A_435] : memref<16x128xi32, #tpu.memory_space<vmem>> -> memref<1x128xi32, #tpu.memory_space<vmem>>
      %dma_wait3A_437 = tpu.memref_squeeze %dma_wait3A_436 : memref<1x128xi32, #tpu.memory_space<vmem>> -> memref<128xi32, #tpu.memory_space<vmem>>
      %dma_wait3A_438 = arith.constant 0 : i32
      %dma_wait3A_439 = arith.constant 0 : i32
      %dma_wait3A_440 = tpu.memref_slice %arg17[%dma_wait3A_438, %dma_wait3A_439] : memref<100096x16xf32, #tpu.memory_space<vmem_shared>> -> memref<100096x16xf32, #tpu.memory_space<vmem_shared>>
      tpu.wait_indirect_dma semaphore(%arg28 : memref<!tpu.dma_semaphore, #tpu.memory_space<semaphore_mem>>) src(%arg10 : memref<128x16xf32, #tpu.memory_space<vmem>>) dst(%dma_wait3A_440 : memref<100096x16xf32, #tpu.memory_space<vmem_shared>>)
      %dma_wait3A_441 = arith.constant 10 : i32
      %dma_wait3A_442 = arith.constant 0 : i32
      %dma_wait3A_443 = tpu.memref_slice %arg7[%dma_wait3A_441, %dma_wait3A_442] : memref<16x128xi32, #tpu.memory_space<vmem>> -> memref<1x128xi32, #tpu.memory_space<vmem>>
      %dma_wait3A_444 = tpu.memref_squeeze %dma_wait3A_443 : memref<1x128xi32, #tpu.memory_space<vmem>> -> memref<128xi32, #tpu.memory_space<vmem>>
      %dma_wait3A_445 = arith.constant 0 : i32
      %dma_wait3A_446 = arith.constant 0 : i32
      %dma_wait3A_447 = tpu.memref_slice %arg17[%dma_wait3A_445, %dma_wait3A_446] : memref<100096x16xf32, #tpu.memory_space<vmem_shared>> -> memref<100096x16xf32, #tpu.memory_space<vmem_shared>>
      tpu.wait_indirect_dma semaphore(%arg29 : memref<!tpu.dma_semaphore, #tpu.memory_space<semaphore_mem>>) src(%arg11 : memref<128x16xf32, #tpu.memory_space<vmem>>) dst(%dma_wait3A_447 : memref<100096x16xf32, #tpu.memory_space<vmem_shared>>)
      %dma_wait3A_448 = arith.constant 11 : i32
      %dma_wait3A_449 = arith.constant 0 : i32
      %dma_wait3A_450 = tpu.memref_slice %arg7[%dma_wait3A_448, %dma_wait3A_449] : memref<16x128xi32, #tpu.memory_space<vmem>> -> memref<1x128xi32, #tpu.memory_space<vmem>>
      %dma_wait3A_451 = tpu.memref_squeeze %dma_wait3A_450 : memref<1x128xi32, #tpu.memory_space<vmem>> -> memref<128xi32, #tpu.memory_space<vmem>>
      %dma_wait3A_452 = arith.constant 0 : i32
      %dma_wait3A_453 = arith.constant 0 : i32
      %dma_wait3A_454 = tpu.memref_slice %arg17[%dma_wait3A_452, %dma_wait3A_453] : memref<100096x16xf32, #tpu.memory_space<vmem_shared>> -> memref<100096x16xf32, #tpu.memory_space<vmem_shared>>
      tpu.wait_indirect_dma semaphore(%arg30 : memref<!tpu.dma_semaphore, #tpu.memory_space<semaphore_mem>>) src(%arg12 : memref<128x16xf32, #tpu.memory_space<vmem>>) dst(%dma_wait3A_454 : memref<100096x16xf32, #tpu.memory_space<vmem_shared>>)
      %dma_wait3A_455 = arith.constant 12 : i32
      %dma_wait3A_456 = arith.constant 0 : i32
      %dma_wait3A_457 = tpu.memref_slice %arg7[%dma_wait3A_455, %dma_wait3A_456] : memref<16x128xi32, #tpu.memory_space<vmem>> -> memref<1x128xi32, #tpu.memory_space<vmem>>
      %dma_wait3A_458 = tpu.memref_squeeze %dma_wait3A_457 : memref<1x128xi32, #tpu.memory_space<vmem>> -> memref<128xi32, #tpu.memory_space<vmem>>
      %dma_wait3A_459 = arith.constant 0 : i32
      %dma_wait3A_460 = arith.constant 0 : i32
      %dma_wait3A_461 = tpu.memref_slice %arg17[%dma_wait3A_459, %dma_wait3A_460] : memref<100096x16xf32, #tpu.memory_space<vmem_shared>> -> memref<100096x16xf32, #tpu.memory_space<vmem_shared>>
      tpu.wait_indirect_dma semaphore(%arg31 : memref<!tpu.dma_semaphore, #tpu.memory_space<semaphore_mem>>) src(%arg13 : memref<128x16xf32, #tpu.memory_space<vmem>>) dst(%dma_wait3A_461 : memref<100096x16xf32, #tpu.memory_space<vmem_shared>>)
      %dma_wait3A_462 = arith.constant 13 : i32
      %dma_wait3A_463 = arith.constant 0 : i32
      %dma_wait3A_464 = tpu.memref_slice %arg7[%dma_wait3A_462, %dma_wait3A_463] : memref<16x128xi32, #tpu.memory_space<vmem>> -> memref<1x128xi32, #tpu.memory_space<vmem>>
      %dma_wait3A_465 = tpu.memref_squeeze %dma_wait3A_464 : memref<1x128xi32, #tpu.memory_space<vmem>> -> memref<128xi32, #tpu.memory_space<vmem>>
      %dma_wait3A_466 = arith.constant 0 : i32
      %dma_wait3A_467 = arith.constant 0 : i32
      %dma_wait3A_468 = tpu.memref_slice %arg17[%dma_wait3A_466, %dma_wait3A_467] : memref<100096x16xf32, #tpu.memory_space<vmem_shared>> -> memref<100096x16xf32, #tpu.memory_space<vmem_shared>>
      tpu.wait_indirect_dma semaphore(%arg32 : memref<!tpu.dma_semaphore, #tpu.memory_space<semaphore_mem>>) src(%arg14 : memref<128x16xf32, #tpu.memory_space<vmem>>) dst(%dma_wait3A_468 : memref<100096x16xf32, #tpu.memory_space<vmem_shared>>)
      %dma_wait3A_469 = arith.constant 14 : i32
      %dma_wait3A_470 = arith.constant 0 : i32
      %dma_wait3A_471 = tpu.memref_slice %arg7[%dma_wait3A_469, %dma_wait3A_470] : memref<16x128xi32, #tpu.memory_space<vmem>> -> memref<1x128xi32, #tpu.memory_space<vmem>>
      %dma_wait3A_472 = tpu.memref_squeeze %dma_wait3A_471 : memref<1x128xi32, #tpu.memory_space<vmem>> -> memref<128xi32, #tpu.memory_space<vmem>>
      %dma_wait3A_473 = arith.constant 0 : i32
      %dma_wait3A_474 = arith.constant 0 : i32
      %dma_wait3A_475 = tpu.memref_slice %arg17[%dma_wait3A_473, %dma_wait3A_474] : memref<100096x16xf32, #tpu.memory_space<vmem_shared>> -> memref<100096x16xf32, #tpu.memory_space<vmem_shared>>
      tpu.wait_indirect_dma semaphore(%arg33 : memref<!tpu.dma_semaphore, #tpu.memory_space<semaphore_mem>>) src(%arg15 : memref<128x16xf32, #tpu.memory_space<vmem>>) dst(%dma_wait3A_475 : memref<100096x16xf32, #tpu.memory_space<vmem_shared>>)
      %dma_wait3A_476 = arith.constant 15 : i32
      %dma_wait3A_477 = arith.constant 0 : i32
      %dma_wait3A_478 = tpu.memref_slice %arg7[%dma_wait3A_476, %dma_wait3A_477] : memref<16x128xi32, #tpu.memory_space<vmem>> -> memref<1x128xi32, #tpu.memory_space<vmem>>
      %dma_wait3A_479 = tpu.memref_squeeze %dma_wait3A_478 : memref<1x128xi32, #tpu.memory_space<vmem>> -> memref<128xi32, #tpu.memory_space<vmem>>
      %dma_wait3A_480 = arith.constant 0 : i32
      %dma_wait3A_481 = arith.constant 0 : i32
      %dma_wait3A_482 = tpu.memref_slice %arg17[%dma_wait3A_480, %dma_wait3A_481] : memref<100096x16xf32, #tpu.memory_space<vmem_shared>> -> memref<100096x16xf32, #tpu.memory_space<vmem_shared>>
      tpu.wait_indirect_dma semaphore(%arg34 : memref<!tpu.dma_semaphore, #tpu.memory_space<semaphore_mem>>) src(%arg16 : memref<128x16xf32, #tpu.memory_space<vmem>>) dst(%dma_wait3A_482 : memref<100096x16xf32, #tpu.memory_space<vmem_shared>>)
    }
    %scan3A_9 = arith.constant 49 : i32
    %barrier3A_10 = arith.constant 0 : index
    tpu.barrier barrier_id(%barrier3A_10)
    %mul3A_11 = arith.constant 6256 : i32
    %mul3A_12 = arith.muli %arg1, %mul3A_11 : i32
    %mul3A_13 = arith.constant 6256 : i32
    %mul3A_14 = arith.muli %arg1, %mul3A_13 : i32
    "tpu.region"() ({
      %run_scoped3A = tpu.sem_alloc : memref<!tpu.dma_semaphore, #tpu.memory_space<semaphore_mem>>
      %dma_start3A = arith.constant 0 : i32
      %dma_start3A_15 = tpu.memref_slice %arg6[%arg0, %mul3A_14, %dma_start3A] : memref<2x100096x16xf32, #tpu.memory_space<hbm>> -> memref<1x6256x16xf32, #tpu.memory_space<hbm>>
      %dma_start3A_16 = tpu.memref_squeeze %dma_start3A_15 : memref<1x6256x16xf32, #tpu.memory_space<hbm>> -> memref<6256x16xf32, #tpu.memory_space<hbm>>
      %dma_start3A_17 = arith.constant 0 : i32
      %dma_start3A_18 = tpu.memref_slice %arg17[%mul3A_12, %dma_start3A_17] : memref<100096x16xf32, #tpu.memory_space<vmem_shared>> -> memref<6256x16xf32, #tpu.memory_space<vmem_shared>>
      tpu.enqueue_dma source(%dma_start3A_18 : memref<6256x16xf32, #tpu.memory_space<vmem_shared>>) target(%dma_start3A_16 : memref<6256x16xf32, #tpu.memory_space<hbm>>) target_semaphore(%run_scoped3A : memref<!tpu.dma_semaphore, #tpu.memory_space<semaphore_mem>>)
      %dma_wait3A = arith.constant 0 : i32
      %dma_wait3A_19 = tpu.memref_slice %arg6[%arg0, %mul3A_14, %dma_wait3A] : memref<2x100096x16xf32, #tpu.memory_space<hbm>> -> memref<1x6256x16xf32, #tpu.memory_space<hbm>>
      %dma_wait3A_20 = tpu.memref_squeeze %dma_wait3A_19 : memref<1x6256x16xf32, #tpu.memory_space<hbm>> -> memref<6256x16xf32, #tpu.memory_space<hbm>>
      %dma_wait3A_21 = arith.constant 0 : i32
      %dma_wait3A_22 = tpu.memref_slice %arg17[%mul3A_12, %dma_wait3A_21] : memref<100096x16xf32, #tpu.memory_space<vmem_shared>> -> memref<6256x16xf32, #tpu.memory_space<vmem_shared>>
      tpu.wait_dma2 semaphore(%run_scoped3A : memref<!tpu.dma_semaphore, #tpu.memory_space<semaphore_mem>>) src(%dma_wait3A_22 : memref<6256x16xf32, #tpu.memory_space<vmem_shared>>) dst(%dma_wait3A_20 : memref<6256x16xf32, #tpu.memory_space<hbm>>)
      tpu.yield
    }) : () -> ()
    return
  }
}

module attributes {stable_mosaic.version = 14 : i64} {
  func.func @_mlp_block_kernel(%arg0: i32, %arg1: memref<2x16x512xf32, #tpu.memory_space<vmem>>, %arg2: memref<128x1xf32, #tpu.memory_space<vmem>>, %arg3: memref<128x1xf32, #tpu.memory_space<vmem>>, %arg4: memref<128x1xf32, #tpu.memory_space<vmem>>, %arg5: memref<1x1xf32, #tpu.memory_space<vmem>>, %arg6: memref<8x512xf32, #tpu.memory_space<vmem>>) attributes {dimension_semantics = [#tpu.dimension_semantics<arbitrary>], iteration_bounds = array<i64: 196>, scalar_prefetch = 0 : i64, scratch_operands = 0 : i64, tpu.core_type = #tpu.core_type<tc>, window_params = [{transform_indices = @transform_0, window_bounds = array<i64: 2, 16, 512>}, {pipeline_mode = #tpu.pipeline_mode<synchronous>, transform_indices = @transform_1, window_bounds = array<i64: 128, 1>}, {pipeline_mode = #tpu.pipeline_mode<synchronous>, transform_indices = @transform_2, window_bounds = array<i64: 128, 1>}, {pipeline_mode = #tpu.pipeline_mode<synchronous>, transform_indices = @transform_3, window_bounds = array<i64: 128, 1>}, {pipeline_mode = #tpu.pipeline_mode<synchronous>, transform_indices = @transform_4, window_bounds = array<i64: 1, 1>}, {transform_indices = @transform_5, window_bounds = array<i64: 8, 512>}]} {
    %get3A = arith.constant 0 : index
    %get3A_0 = arith.constant 0 : index
    %get3A_1 = arith.constant 0 : index
    %get3A_2 = vector.load %arg1[%get3A, %get3A_0, %get3A_1] : memref<2x16x512xf32, #tpu.memory_space<vmem>>, vector<1x16x512xf32>
    %get3A_3 = vector.shape_cast %get3A_2 : vector<1x16x512xf32> to vector<16x512xf32>
    %get3A_4 = arith.constant 1 : index
    %get3A_5 = arith.constant 0 : index
    %get3A_6 = arith.constant 0 : index
    %get3A_7 = vector.load %arg1[%get3A_4, %get3A_5, %get3A_6] : memref<2x16x512xf32, #tpu.memory_space<vmem>>, vector<1x16x512xf32>
    %get3A_8 = vector.shape_cast %get3A_7 : vector<1x16x512xf32> to vector<16x512xf32>
    %add3A = arith.addf %get3A_3, %get3A_8 : vector<16x512xf32>
    %slice3A = vector.extract_strided_slice %add3A {offsets = [8, 0], sizes = [1, 512], strides = [1, 1]} : vector<16x512xf32> to vector<1x512xf32>
    %max3A = arith.constant 1.000000e+00 : f32
    %max3A_9 = vector.broadcast %max3A : f32 to vector<1x512xf32>
    %max3A_10 = arith.maximumf %slice3A, %max3A_9 : vector<1x512xf32>
    %get3A_11 = arith.constant 0 : index
    %get3A_12 = arith.constant 0 : index
    %get3A_13 = vector.load %arg2[%get3A_11, %get3A_12] : memref<128x1xf32, #tpu.memory_space<vmem>>, vector<128x1xf32>
    %get3A_14 = arith.constant 0 : index
    %get3A_15 = arith.constant 0 : index
    %get3A_16 = vector.load %arg3[%get3A_14, %get3A_15] : memref<128x1xf32, #tpu.memory_space<vmem>>, vector<128x1xf32>
    %get3A_17 = arith.constant 0 : index
    %get3A_18 = arith.constant 0 : index
    %get3A_19 = vector.load %arg4[%get3A_17, %get3A_18] : memref<128x1xf32, #tpu.memory_space<vmem>>, vector<128x1xf32>
    %get3A_20 = arith.constant 0 : index
    %get3A_21 = arith.constant 0 : index
    %get3A_22 = vector.load %arg5[%get3A_20, %get3A_21] : memref<1x1xf32, #tpu.memory_space<vmem>>, vector<1x1xf32>
    %get3A_23 = vector.extract %get3A_22[0, 0] : f32 from vector<1x1xf32>
    %slice3A_24 = vector.extract_strided_slice %add3A {offsets = [0, 0], sizes = [1, 512], strides = [1, 1]} : vector<16x512xf32> to vector<1x512xf32>
    %div3A = arith.divf %slice3A_24, %max3A_10 : vector<1x512xf32>
    %mul3A = vector.broadcast %div3A : vector<1x512xf32> to vector<128x512xf32>
    %mul3A_25 = vector.broadcast %get3A_13 : vector<128x1xf32> to vector<128x512xf32>
    %mul3A_26 = arith.mulf %mul3A, %mul3A_25 : vector<128x512xf32>
    %add3A_27 = vector.broadcast %get3A_16 : vector<128x1xf32> to vector<128x512xf32>
    %add3A_28 = arith.addf %mul3A_26, %add3A_27 : vector<128x512xf32>
    %mul3A_29 = arith.constant 5.000000e-01 : f32
    %mul3A_30 = vector.broadcast %mul3A_29 : f32 to vector<128x512xf32>
    %mul3A_31 = arith.mulf %mul3A_30, %add3A_28 : vector<128x512xf32>
    %mul3A_32 = arith.constant 0.707106769 : f32
    %mul3A_33 = vector.broadcast %mul3A_32 : f32 to vector<128x512xf32>
    %mul3A_34 = arith.mulf %add3A_28, %mul3A_33 : vector<128x512xf32>
    %abs3A = math.absf %mul3A_34 : vector<128x512xf32>
    %mul3A_35 = arith.constant 0.327591091 : f32
    %mul3A_36 = vector.broadcast %mul3A_35 : f32 to vector<128x512xf32>
    %mul3A_37 = arith.mulf %mul3A_36, %abs3A : vector<128x512xf32>
    %add3A_38 = arith.constant 1.000000e+00 : f32
    %add3A_39 = vector.broadcast %add3A_38 : f32 to vector<128x512xf32>
    %add3A_40 = arith.addf %add3A_39, %mul3A_37 : vector<128x512xf32>
    %div3A_41 = arith.constant 1.000000e+00 : f32
    %div3A_42 = vector.broadcast %div3A_41 : f32 to vector<128x512xf32>
    %div3A_43 = arith.divf %div3A_42, %add3A_40 : vector<128x512xf32>
    %mul3A_44 = arith.constant 1.06140542 : f32
    %mul3A_45 = vector.broadcast %mul3A_44 : f32 to vector<128x512xf32>
    %mul3A_46 = arith.mulf %div3A_43, %mul3A_45 : vector<128x512xf32>
    %add3A_47 = arith.constant -1.45315206 : f32
    %add3A_48 = vector.broadcast %add3A_47 : f32 to vector<128x512xf32>
    %add3A_49 = arith.addf %add3A_48, %mul3A_46 : vector<128x512xf32>
    %mul3A_50 = arith.mulf %div3A_43, %add3A_49 : vector<128x512xf32>
    %add3A_51 = arith.constant 1.42141378 : f32
    %add3A_52 = vector.broadcast %add3A_51 : f32 to vector<128x512xf32>
    %add3A_53 = arith.addf %add3A_52, %mul3A_50 : vector<128x512xf32>
    %mul3A_54 = arith.mulf %div3A_43, %add3A_53 : vector<128x512xf32>
    %add3A_55 = arith.constant -0.284496725 : f32
    %add3A_56 = vector.broadcast %add3A_55 : f32 to vector<128x512xf32>
    %add3A_57 = arith.addf %add3A_56, %mul3A_54 : vector<128x512xf32>
    %mul3A_58 = arith.mulf %div3A_43, %add3A_57 : vector<128x512xf32>
    %add3A_59 = arith.constant 0.254829586 : f32
    %add3A_60 = vector.broadcast %add3A_59 : f32 to vector<128x512xf32>
    %add3A_61 = arith.addf %add3A_60, %mul3A_58 : vector<128x512xf32>
    %mul3A_62 = arith.mulf %div3A_43, %add3A_61 : vector<128x512xf32>
    %neg3A = arith.constant 0.000000e+00 : f32
    %neg3A_63 = vector.broadcast %neg3A : f32 to vector<128x512xf32>
    %neg3A_64 = arith.subf %neg3A_63, %abs3A : vector<128x512xf32>
    %mul3A_65 = arith.mulf %neg3A_64, %abs3A : vector<128x512xf32>
    %exp3A = math.exp %mul3A_65 : vector<128x512xf32>
    %mul3A_66 = arith.mulf %mul3A_62, %exp3A : vector<128x512xf32>
    %sub3A = arith.constant 1.000000e+00 : f32
    %sub3A_67 = vector.broadcast %sub3A : f32 to vector<128x512xf32>
    %sub3A_68 = arith.subf %sub3A_67, %mul3A_66 : vector<128x512xf32>
    %lt3A = arith.constant 0.000000e+00 : f32
    %lt3A_69 = vector.broadcast %lt3A : f32 to vector<128x512xf32>
    %lt3A_70 = arith.cmpf olt, %mul3A_34, %lt3A_69 : vector<128x512xf32>
    %neg3A_71 = arith.constant 0.000000e+00 : f32
    %neg3A_72 = vector.broadcast %neg3A_71 : f32 to vector<128x512xf32>
    %neg3A_73 = arith.subf %neg3A_72, %sub3A_68 : vector<128x512xf32>
    %select_n3A = arith.select %lt3A_70, %neg3A_73, %sub3A_68 : vector<128x512xi1>, vector<128x512xf32>
    %add3A_74 = arith.constant 1.000000e+00 : f32
    %add3A_75 = vector.broadcast %add3A_74 : f32 to vector<128x512xf32>
    %add3A_76 = arith.addf %add3A_75, %select_n3A : vector<128x512xf32>
    %mul3A_77 = arith.mulf %mul3A_31, %add3A_76 : vector<128x512xf32>
    %convert_element_type3A = arith.truncf %mul3A_77 : vector<128x512xf32> to vector<128x512xbf16>
    %convert_element_type3A_78 = arith.extf %convert_element_type3A : vector<128x512xbf16> to vector<128x512xf32>
    %mul3A_79 = vector.broadcast %get3A_19 : vector<128x1xf32> to vector<128x512xf32>
    %mul3A_80 = arith.mulf %convert_element_type3A_78, %mul3A_79 : vector<128x512xf32>
    %reduce_sum3A = arith.constant dense<0.000000e+00> : vector<512xf32>
    %reduce_sum3A_81 = vector.multi_reduction <add>, %mul3A_80, %reduce_sum3A [0] : vector<128x512xf32> to vector<512xf32>
    %broadcast_in_dim3A = vector.shape_cast %reduce_sum3A_81 : vector<512xf32> to vector<1x512xf32>
    %add3A_82 = vector.broadcast %get3A_23 : f32 to vector<1x512xf32>
    %add3A_83 = arith.addf %broadcast_in_dim3A, %add3A_82 : vector<1x512xf32>
    %slice3A_84 = vector.extract_strided_slice %add3A {offsets = [1, 0], sizes = [1, 512], strides = [1, 1]} : vector<16x512xf32> to vector<1x512xf32>
    %div3A_85 = arith.divf %slice3A_84, %max3A_10 : vector<1x512xf32>
    %mul3A_86 = vector.broadcast %div3A_85 : vector<1x512xf32> to vector<128x512xf32>
    %mul3A_87 = vector.broadcast %get3A_13 : vector<128x1xf32> to vector<128x512xf32>
    %mul3A_88 = arith.mulf %mul3A_86, %mul3A_87 : vector<128x512xf32>
    %add3A_89 = vector.broadcast %get3A_16 : vector<128x1xf32> to vector<128x512xf32>
    %add3A_90 = arith.addf %mul3A_88, %add3A_89 : vector<128x512xf32>
    %mul3A_91 = arith.constant 5.000000e-01 : f32
    %mul3A_92 = vector.broadcast %mul3A_91 : f32 to vector<128x512xf32>
    %mul3A_93 = arith.mulf %mul3A_92, %add3A_90 : vector<128x512xf32>
    %mul3A_94 = arith.constant 0.707106769 : f32
    %mul3A_95 = vector.broadcast %mul3A_94 : f32 to vector<128x512xf32>
    %mul3A_96 = arith.mulf %add3A_90, %mul3A_95 : vector<128x512xf32>
    %abs3A_97 = math.absf %mul3A_96 : vector<128x512xf32>
    %mul3A_98 = arith.constant 0.327591091 : f32
    %mul3A_99 = vector.broadcast %mul3A_98 : f32 to vector<128x512xf32>
    %mul3A_100 = arith.mulf %mul3A_99, %abs3A_97 : vector<128x512xf32>
    %add3A_101 = arith.constant 1.000000e+00 : f32
    %add3A_102 = vector.broadcast %add3A_101 : f32 to vector<128x512xf32>
    %add3A_103 = arith.addf %add3A_102, %mul3A_100 : vector<128x512xf32>
    %div3A_104 = arith.constant 1.000000e+00 : f32
    %div3A_105 = vector.broadcast %div3A_104 : f32 to vector<128x512xf32>
    %div3A_106 = arith.divf %div3A_105, %add3A_103 : vector<128x512xf32>
    %mul3A_107 = arith.constant 1.06140542 : f32
    %mul3A_108 = vector.broadcast %mul3A_107 : f32 to vector<128x512xf32>
    %mul3A_109 = arith.mulf %div3A_106, %mul3A_108 : vector<128x512xf32>
    %add3A_110 = arith.constant -1.45315206 : f32
    %add3A_111 = vector.broadcast %add3A_110 : f32 to vector<128x512xf32>
    %add3A_112 = arith.addf %add3A_111, %mul3A_109 : vector<128x512xf32>
    %mul3A_113 = arith.mulf %div3A_106, %add3A_112 : vector<128x512xf32>
    %add3A_114 = arith.constant 1.42141378 : f32
    %add3A_115 = vector.broadcast %add3A_114 : f32 to vector<128x512xf32>
    %add3A_116 = arith.addf %add3A_115, %mul3A_113 : vector<128x512xf32>
    %mul3A_117 = arith.mulf %div3A_106, %add3A_116 : vector<128x512xf32>
    %add3A_118 = arith.constant -0.284496725 : f32
    %add3A_119 = vector.broadcast %add3A_118 : f32 to vector<128x512xf32>
    %add3A_120 = arith.addf %add3A_119, %mul3A_117 : vector<128x512xf32>
    %mul3A_121 = arith.mulf %div3A_106, %add3A_120 : vector<128x512xf32>
    %add3A_122 = arith.constant 0.254829586 : f32
    %add3A_123 = vector.broadcast %add3A_122 : f32 to vector<128x512xf32>
    %add3A_124 = arith.addf %add3A_123, %mul3A_121 : vector<128x512xf32>
    %mul3A_125 = arith.mulf %div3A_106, %add3A_124 : vector<128x512xf32>
    %neg3A_126 = arith.constant 0.000000e+00 : f32
    %neg3A_127 = vector.broadcast %neg3A_126 : f32 to vector<128x512xf32>
    %neg3A_128 = arith.subf %neg3A_127, %abs3A_97 : vector<128x512xf32>
    %mul3A_129 = arith.mulf %neg3A_128, %abs3A_97 : vector<128x512xf32>
    %exp3A_130 = math.exp %mul3A_129 : vector<128x512xf32>
    %mul3A_131 = arith.mulf %mul3A_125, %exp3A_130 : vector<128x512xf32>
    %sub3A_132 = arith.constant 1.000000e+00 : f32
    %sub3A_133 = vector.broadcast %sub3A_132 : f32 to vector<128x512xf32>
    %sub3A_134 = arith.subf %sub3A_133, %mul3A_131 : vector<128x512xf32>
    %lt3A_135 = arith.constant 0.000000e+00 : f32
    %lt3A_136 = vector.broadcast %lt3A_135 : f32 to vector<128x512xf32>
    %lt3A_137 = arith.cmpf olt, %mul3A_96, %lt3A_136 : vector<128x512xf32>
    %neg3A_138 = arith.constant 0.000000e+00 : f32
    %neg3A_139 = vector.broadcast %neg3A_138 : f32 to vector<128x512xf32>
    %neg3A_140 = arith.subf %neg3A_139, %sub3A_134 : vector<128x512xf32>
    %select_n3A_141 = arith.select %lt3A_137, %neg3A_140, %sub3A_134 : vector<128x512xi1>, vector<128x512xf32>
    %add3A_142 = arith.constant 1.000000e+00 : f32
    %add3A_143 = vector.broadcast %add3A_142 : f32 to vector<128x512xf32>
    %add3A_144 = arith.addf %add3A_143, %select_n3A_141 : vector<128x512xf32>
    %mul3A_145 = arith.mulf %mul3A_93, %add3A_144 : vector<128x512xf32>
    %convert_element_type3A_146 = arith.truncf %mul3A_145 : vector<128x512xf32> to vector<128x512xbf16>
    %convert_element_type3A_147 = arith.extf %convert_element_type3A_146 : vector<128x512xbf16> to vector<128x512xf32>
    %mul3A_148 = vector.broadcast %get3A_19 : vector<128x1xf32> to vector<128x512xf32>
    %mul3A_149 = arith.mulf %convert_element_type3A_147, %mul3A_148 : vector<128x512xf32>
    %reduce_sum3A_150 = arith.constant dense<0.000000e+00> : vector<512xf32>
    %reduce_sum3A_151 = vector.multi_reduction <add>, %mul3A_149, %reduce_sum3A_150 [0] : vector<128x512xf32> to vector<512xf32>
    %broadcast_in_dim3A_152 = vector.shape_cast %reduce_sum3A_151 : vector<512xf32> to vector<1x512xf32>
    %add3A_153 = vector.broadcast %get3A_23 : f32 to vector<1x512xf32>
    %add3A_154 = arith.addf %broadcast_in_dim3A_152, %add3A_153 : vector<1x512xf32>
    %slice3A_155 = vector.extract_strided_slice %add3A {offsets = [2, 0], sizes = [1, 512], strides = [1, 1]} : vector<16x512xf32> to vector<1x512xf32>
    %div3A_156 = arith.divf %slice3A_155, %max3A_10 : vector<1x512xf32>
    %mul3A_157 = vector.broadcast %div3A_156 : vector<1x512xf32> to vector<128x512xf32>
    %mul3A_158 = vector.broadcast %get3A_13 : vector<128x1xf32> to vector<128x512xf32>
    %mul3A_159 = arith.mulf %mul3A_157, %mul3A_158 : vector<128x512xf32>
    %add3A_160 = vector.broadcast %get3A_16 : vector<128x1xf32> to vector<128x512xf32>
    %add3A_161 = arith.addf %mul3A_159, %add3A_160 : vector<128x512xf32>
    %mul3A_162 = arith.constant 5.000000e-01 : f32
    %mul3A_163 = vector.broadcast %mul3A_162 : f32 to vector<128x512xf32>
    %mul3A_164 = arith.mulf %mul3A_163, %add3A_161 : vector<128x512xf32>
    %mul3A_165 = arith.constant 0.707106769 : f32
    %mul3A_166 = vector.broadcast %mul3A_165 : f32 to vector<128x512xf32>
    %mul3A_167 = arith.mulf %add3A_161, %mul3A_166 : vector<128x512xf32>
    %abs3A_168 = math.absf %mul3A_167 : vector<128x512xf32>
    %mul3A_169 = arith.constant 0.327591091 : f32
    %mul3A_170 = vector.broadcast %mul3A_169 : f32 to vector<128x512xf32>
    %mul3A_171 = arith.mulf %mul3A_170, %abs3A_168 : vector<128x512xf32>
    %add3A_172 = arith.constant 1.000000e+00 : f32
    %add3A_173 = vector.broadcast %add3A_172 : f32 to vector<128x512xf32>
    %add3A_174 = arith.addf %add3A_173, %mul3A_171 : vector<128x512xf32>
    %div3A_175 = arith.constant 1.000000e+00 : f32
    %div3A_176 = vector.broadcast %div3A_175 : f32 to vector<128x512xf32>
    %div3A_177 = arith.divf %div3A_176, %add3A_174 : vector<128x512xf32>
    %mul3A_178 = arith.constant 1.06140542 : f32
    %mul3A_179 = vector.broadcast %mul3A_178 : f32 to vector<128x512xf32>
    %mul3A_180 = arith.mulf %div3A_177, %mul3A_179 : vector<128x512xf32>
    %add3A_181 = arith.constant -1.45315206 : f32
    %add3A_182 = vector.broadcast %add3A_181 : f32 to vector<128x512xf32>
    %add3A_183 = arith.addf %add3A_182, %mul3A_180 : vector<128x512xf32>
    %mul3A_184 = arith.mulf %div3A_177, %add3A_183 : vector<128x512xf32>
    %add3A_185 = arith.constant 1.42141378 : f32
    %add3A_186 = vector.broadcast %add3A_185 : f32 to vector<128x512xf32>
    %add3A_187 = arith.addf %add3A_186, %mul3A_184 : vector<128x512xf32>
    %mul3A_188 = arith.mulf %div3A_177, %add3A_187 : vector<128x512xf32>
    %add3A_189 = arith.constant -0.284496725 : f32
    %add3A_190 = vector.broadcast %add3A_189 : f32 to vector<128x512xf32>
    %add3A_191 = arith.addf %add3A_190, %mul3A_188 : vector<128x512xf32>
    %mul3A_192 = arith.mulf %div3A_177, %add3A_191 : vector<128x512xf32>
    %add3A_193 = arith.constant 0.254829586 : f32
    %add3A_194 = vector.broadcast %add3A_193 : f32 to vector<128x512xf32>
    %add3A_195 = arith.addf %add3A_194, %mul3A_192 : vector<128x512xf32>
    %mul3A_196 = arith.mulf %div3A_177, %add3A_195 : vector<128x512xf32>
    %neg3A_197 = arith.constant 0.000000e+00 : f32
    %neg3A_198 = vector.broadcast %neg3A_197 : f32 to vector<128x512xf32>
    %neg3A_199 = arith.subf %neg3A_198, %abs3A_168 : vector<128x512xf32>
    %mul3A_200 = arith.mulf %neg3A_199, %abs3A_168 : vector<128x512xf32>
    %exp3A_201 = math.exp %mul3A_200 : vector<128x512xf32>
    %mul3A_202 = arith.mulf %mul3A_196, %exp3A_201 : vector<128x512xf32>
    %sub3A_203 = arith.constant 1.000000e+00 : f32
    %sub3A_204 = vector.broadcast %sub3A_203 : f32 to vector<128x512xf32>
    %sub3A_205 = arith.subf %sub3A_204, %mul3A_202 : vector<128x512xf32>
    %lt3A_206 = arith.constant 0.000000e+00 : f32
    %lt3A_207 = vector.broadcast %lt3A_206 : f32 to vector<128x512xf32>
    %lt3A_208 = arith.cmpf olt, %mul3A_167, %lt3A_207 : vector<128x512xf32>
    %neg3A_209 = arith.constant 0.000000e+00 : f32
    %neg3A_210 = vector.broadcast %neg3A_209 : f32 to vector<128x512xf32>
    %neg3A_211 = arith.subf %neg3A_210, %sub3A_205 : vector<128x512xf32>
    %select_n3A_212 = arith.select %lt3A_208, %neg3A_211, %sub3A_205 : vector<128x512xi1>, vector<128x512xf32>
    %add3A_213 = arith.constant 1.000000e+00 : f32
    %add3A_214 = vector.broadcast %add3A_213 : f32 to vector<128x512xf32>
    %add3A_215 = arith.addf %add3A_214, %select_n3A_212 : vector<128x512xf32>
    %mul3A_216 = arith.mulf %mul3A_164, %add3A_215 : vector<128x512xf32>
    %convert_element_type3A_217 = arith.truncf %mul3A_216 : vector<128x512xf32> to vector<128x512xbf16>
    %convert_element_type3A_218 = arith.extf %convert_element_type3A_217 : vector<128x512xbf16> to vector<128x512xf32>
    %mul3A_219 = vector.broadcast %get3A_19 : vector<128x1xf32> to vector<128x512xf32>
    %mul3A_220 = arith.mulf %convert_element_type3A_218, %mul3A_219 : vector<128x512xf32>
    %reduce_sum3A_221 = arith.constant dense<0.000000e+00> : vector<512xf32>
    %reduce_sum3A_222 = vector.multi_reduction <add>, %mul3A_220, %reduce_sum3A_221 [0] : vector<128x512xf32> to vector<512xf32>
    %broadcast_in_dim3A_223 = vector.shape_cast %reduce_sum3A_222 : vector<512xf32> to vector<1x512xf32>
    %add3A_224 = vector.broadcast %get3A_23 : f32 to vector<1x512xf32>
    %add3A_225 = arith.addf %broadcast_in_dim3A_223, %add3A_224 : vector<1x512xf32>
    %slice3A_226 = vector.extract_strided_slice %add3A {offsets = [3, 0], sizes = [1, 512], strides = [1, 1]} : vector<16x512xf32> to vector<1x512xf32>
    %div3A_227 = arith.divf %slice3A_226, %max3A_10 : vector<1x512xf32>
    %mul3A_228 = vector.broadcast %div3A_227 : vector<1x512xf32> to vector<128x512xf32>
    %mul3A_229 = vector.broadcast %get3A_13 : vector<128x1xf32> to vector<128x512xf32>
    %mul3A_230 = arith.mulf %mul3A_228, %mul3A_229 : vector<128x512xf32>
    %add3A_231 = vector.broadcast %get3A_16 : vector<128x1xf32> to vector<128x512xf32>
    %add3A_232 = arith.addf %mul3A_230, %add3A_231 : vector<128x512xf32>
    %mul3A_233 = arith.constant 5.000000e-01 : f32
    %mul3A_234 = vector.broadcast %mul3A_233 : f32 to vector<128x512xf32>
    %mul3A_235 = arith.mulf %mul3A_234, %add3A_232 : vector<128x512xf32>
    %mul3A_236 = arith.constant 0.707106769 : f32
    %mul3A_237 = vector.broadcast %mul3A_236 : f32 to vector<128x512xf32>
    %mul3A_238 = arith.mulf %add3A_232, %mul3A_237 : vector<128x512xf32>
    %abs3A_239 = math.absf %mul3A_238 : vector<128x512xf32>
    %mul3A_240 = arith.constant 0.327591091 : f32
    %mul3A_241 = vector.broadcast %mul3A_240 : f32 to vector<128x512xf32>
    %mul3A_242 = arith.mulf %mul3A_241, %abs3A_239 : vector<128x512xf32>
    %add3A_243 = arith.constant 1.000000e+00 : f32
    %add3A_244 = vector.broadcast %add3A_243 : f32 to vector<128x512xf32>
    %add3A_245 = arith.addf %add3A_244, %mul3A_242 : vector<128x512xf32>
    %div3A_246 = arith.constant 1.000000e+00 : f32
    %div3A_247 = vector.broadcast %div3A_246 : f32 to vector<128x512xf32>
    %div3A_248 = arith.divf %div3A_247, %add3A_245 : vector<128x512xf32>
    %mul3A_249 = arith.constant 1.06140542 : f32
    %mul3A_250 = vector.broadcast %mul3A_249 : f32 to vector<128x512xf32>
    %mul3A_251 = arith.mulf %div3A_248, %mul3A_250 : vector<128x512xf32>
    %add3A_252 = arith.constant -1.45315206 : f32
    %add3A_253 = vector.broadcast %add3A_252 : f32 to vector<128x512xf32>
    %add3A_254 = arith.addf %add3A_253, %mul3A_251 : vector<128x512xf32>
    %mul3A_255 = arith.mulf %div3A_248, %add3A_254 : vector<128x512xf32>
    %add3A_256 = arith.constant 1.42141378 : f32
    %add3A_257 = vector.broadcast %add3A_256 : f32 to vector<128x512xf32>
    %add3A_258 = arith.addf %add3A_257, %mul3A_255 : vector<128x512xf32>
    %mul3A_259 = arith.mulf %div3A_248, %add3A_258 : vector<128x512xf32>
    %add3A_260 = arith.constant -0.284496725 : f32
    %add3A_261 = vector.broadcast %add3A_260 : f32 to vector<128x512xf32>
    %add3A_262 = arith.addf %add3A_261, %mul3A_259 : vector<128x512xf32>
    %mul3A_263 = arith.mulf %div3A_248, %add3A_262 : vector<128x512xf32>
    %add3A_264 = arith.constant 0.254829586 : f32
    %add3A_265 = vector.broadcast %add3A_264 : f32 to vector<128x512xf32>
    %add3A_266 = arith.addf %add3A_265, %mul3A_263 : vector<128x512xf32>
    %mul3A_267 = arith.mulf %div3A_248, %add3A_266 : vector<128x512xf32>
    %neg3A_268 = arith.constant 0.000000e+00 : f32
    %neg3A_269 = vector.broadcast %neg3A_268 : f32 to vector<128x512xf32>
    %neg3A_270 = arith.subf %neg3A_269, %abs3A_239 : vector<128x512xf32>
    %mul3A_271 = arith.mulf %neg3A_270, %abs3A_239 : vector<128x512xf32>
    %exp3A_272 = math.exp %mul3A_271 : vector<128x512xf32>
    %mul3A_273 = arith.mulf %mul3A_267, %exp3A_272 : vector<128x512xf32>
    %sub3A_274 = arith.constant 1.000000e+00 : f32
    %sub3A_275 = vector.broadcast %sub3A_274 : f32 to vector<128x512xf32>
    %sub3A_276 = arith.subf %sub3A_275, %mul3A_273 : vector<128x512xf32>
    %lt3A_277 = arith.constant 0.000000e+00 : f32
    %lt3A_278 = vector.broadcast %lt3A_277 : f32 to vector<128x512xf32>
    %lt3A_279 = arith.cmpf olt, %mul3A_238, %lt3A_278 : vector<128x512xf32>
    %neg3A_280 = arith.constant 0.000000e+00 : f32
    %neg3A_281 = vector.broadcast %neg3A_280 : f32 to vector<128x512xf32>
    %neg3A_282 = arith.subf %neg3A_281, %sub3A_276 : vector<128x512xf32>
    %select_n3A_283 = arith.select %lt3A_279, %neg3A_282, %sub3A_276 : vector<128x512xi1>, vector<128x512xf32>
    %add3A_284 = arith.constant 1.000000e+00 : f32
    %add3A_285 = vector.broadcast %add3A_284 : f32 to vector<128x512xf32>
    %add3A_286 = arith.addf %add3A_285, %select_n3A_283 : vector<128x512xf32>
    %mul3A_287 = arith.mulf %mul3A_235, %add3A_286 : vector<128x512xf32>
    %convert_element_type3A_288 = arith.truncf %mul3A_287 : vector<128x512xf32> to vector<128x512xbf16>
    %convert_element_type3A_289 = arith.extf %convert_element_type3A_288 : vector<128x512xbf16> to vector<128x512xf32>
    %mul3A_290 = vector.broadcast %get3A_19 : vector<128x1xf32> to vector<128x512xf32>
    %mul3A_291 = arith.mulf %convert_element_type3A_289, %mul3A_290 : vector<128x512xf32>
    %reduce_sum3A_292 = arith.constant dense<0.000000e+00> : vector<512xf32>
    %reduce_sum3A_293 = vector.multi_reduction <add>, %mul3A_291, %reduce_sum3A_292 [0] : vector<128x512xf32> to vector<512xf32>
    %broadcast_in_dim3A_294 = vector.shape_cast %reduce_sum3A_293 : vector<512xf32> to vector<1x512xf32>
    %add3A_295 = vector.broadcast %get3A_23 : f32 to vector<1x512xf32>
    %add3A_296 = arith.addf %broadcast_in_dim3A_294, %add3A_295 : vector<1x512xf32>
    %slice3A_297 = vector.extract_strided_slice %add3A {offsets = [4, 0], sizes = [1, 512], strides = [1, 1]} : vector<16x512xf32> to vector<1x512xf32>
    %div3A_298 = arith.divf %slice3A_297, %max3A_10 : vector<1x512xf32>
    %mul3A_299 = vector.broadcast %div3A_298 : vector<1x512xf32> to vector<128x512xf32>
    %mul3A_300 = vector.broadcast %get3A_13 : vector<128x1xf32> to vector<128x512xf32>
    %mul3A_301 = arith.mulf %mul3A_299, %mul3A_300 : vector<128x512xf32>
    %add3A_302 = vector.broadcast %get3A_16 : vector<128x1xf32> to vector<128x512xf32>
    %add3A_303 = arith.addf %mul3A_301, %add3A_302 : vector<128x512xf32>
    %mul3A_304 = arith.constant 5.000000e-01 : f32
    %mul3A_305 = vector.broadcast %mul3A_304 : f32 to vector<128x512xf32>
    %mul3A_306 = arith.mulf %mul3A_305, %add3A_303 : vector<128x512xf32>
    %mul3A_307 = arith.constant 0.707106769 : f32
    %mul3A_308 = vector.broadcast %mul3A_307 : f32 to vector<128x512xf32>
    %mul3A_309 = arith.mulf %add3A_303, %mul3A_308 : vector<128x512xf32>
    %abs3A_310 = math.absf %mul3A_309 : vector<128x512xf32>
    %mul3A_311 = arith.constant 0.327591091 : f32
    %mul3A_312 = vector.broadcast %mul3A_311 : f32 to vector<128x512xf32>
    %mul3A_313 = arith.mulf %mul3A_312, %abs3A_310 : vector<128x512xf32>
    %add3A_314 = arith.constant 1.000000e+00 : f32
    %add3A_315 = vector.broadcast %add3A_314 : f32 to vector<128x512xf32>
    %add3A_316 = arith.addf %add3A_315, %mul3A_313 : vector<128x512xf32>
    %div3A_317 = arith.constant 1.000000e+00 : f32
    %div3A_318 = vector.broadcast %div3A_317 : f32 to vector<128x512xf32>
    %div3A_319 = arith.divf %div3A_318, %add3A_316 : vector<128x512xf32>
    %mul3A_320 = arith.constant 1.06140542 : f32
    %mul3A_321 = vector.broadcast %mul3A_320 : f32 to vector<128x512xf32>
    %mul3A_322 = arith.mulf %div3A_319, %mul3A_321 : vector<128x512xf32>
    %add3A_323 = arith.constant -1.45315206 : f32
    %add3A_324 = vector.broadcast %add3A_323 : f32 to vector<128x512xf32>
    %add3A_325 = arith.addf %add3A_324, %mul3A_322 : vector<128x512xf32>
    %mul3A_326 = arith.mulf %div3A_319, %add3A_325 : vector<128x512xf32>
    %add3A_327 = arith.constant 1.42141378 : f32
    %add3A_328 = vector.broadcast %add3A_327 : f32 to vector<128x512xf32>
    %add3A_329 = arith.addf %add3A_328, %mul3A_326 : vector<128x512xf32>
    %mul3A_330 = arith.mulf %div3A_319, %add3A_329 : vector<128x512xf32>
    %add3A_331 = arith.constant -0.284496725 : f32
    %add3A_332 = vector.broadcast %add3A_331 : f32 to vector<128x512xf32>
    %add3A_333 = arith.addf %add3A_332, %mul3A_330 : vector<128x512xf32>
    %mul3A_334 = arith.mulf %div3A_319, %add3A_333 : vector<128x512xf32>
    %add3A_335 = arith.constant 0.254829586 : f32
    %add3A_336 = vector.broadcast %add3A_335 : f32 to vector<128x512xf32>
    %add3A_337 = arith.addf %add3A_336, %mul3A_334 : vector<128x512xf32>
    %mul3A_338 = arith.mulf %div3A_319, %add3A_337 : vector<128x512xf32>
    %neg3A_339 = arith.constant 0.000000e+00 : f32
    %neg3A_340 = vector.broadcast %neg3A_339 : f32 to vector<128x512xf32>
    %neg3A_341 = arith.subf %neg3A_340, %abs3A_310 : vector<128x512xf32>
    %mul3A_342 = arith.mulf %neg3A_341, %abs3A_310 : vector<128x512xf32>
    %exp3A_343 = math.exp %mul3A_342 : vector<128x512xf32>
    %mul3A_344 = arith.mulf %mul3A_338, %exp3A_343 : vector<128x512xf32>
    %sub3A_345 = arith.constant 1.000000e+00 : f32
    %sub3A_346 = vector.broadcast %sub3A_345 : f32 to vector<128x512xf32>
    %sub3A_347 = arith.subf %sub3A_346, %mul3A_344 : vector<128x512xf32>
    %lt3A_348 = arith.constant 0.000000e+00 : f32
    %lt3A_349 = vector.broadcast %lt3A_348 : f32 to vector<128x512xf32>
    %lt3A_350 = arith.cmpf olt, %mul3A_309, %lt3A_349 : vector<128x512xf32>
    %neg3A_351 = arith.constant 0.000000e+00 : f32
    %neg3A_352 = vector.broadcast %neg3A_351 : f32 to vector<128x512xf32>
    %neg3A_353 = arith.subf %neg3A_352, %sub3A_347 : vector<128x512xf32>
    %select_n3A_354 = arith.select %lt3A_350, %neg3A_353, %sub3A_347 : vector<128x512xi1>, vector<128x512xf32>
    %add3A_355 = arith.constant 1.000000e+00 : f32
    %add3A_356 = vector.broadcast %add3A_355 : f32 to vector<128x512xf32>
    %add3A_357 = arith.addf %add3A_356, %select_n3A_354 : vector<128x512xf32>
    %mul3A_358 = arith.mulf %mul3A_306, %add3A_357 : vector<128x512xf32>
    %convert_element_type3A_359 = arith.truncf %mul3A_358 : vector<128x512xf32> to vector<128x512xbf16>
    %convert_element_type3A_360 = arith.extf %convert_element_type3A_359 : vector<128x512xbf16> to vector<128x512xf32>
    %mul3A_361 = vector.broadcast %get3A_19 : vector<128x1xf32> to vector<128x512xf32>
    %mul3A_362 = arith.mulf %convert_element_type3A_360, %mul3A_361 : vector<128x512xf32>
    %reduce_sum3A_363 = arith.constant dense<0.000000e+00> : vector<512xf32>
    %reduce_sum3A_364 = vector.multi_reduction <add>, %mul3A_362, %reduce_sum3A_363 [0] : vector<128x512xf32> to vector<512xf32>
    %broadcast_in_dim3A_365 = vector.shape_cast %reduce_sum3A_364 : vector<512xf32> to vector<1x512xf32>
    %add3A_366 = vector.broadcast %get3A_23 : f32 to vector<1x512xf32>
    %add3A_367 = arith.addf %broadcast_in_dim3A_365, %add3A_366 : vector<1x512xf32>
    %slice3A_368 = vector.extract_strided_slice %add3A {offsets = [5, 0], sizes = [1, 512], strides = [1, 1]} : vector<16x512xf32> to vector<1x512xf32>
    %div3A_369 = arith.divf %slice3A_368, %max3A_10 : vector<1x512xf32>
    %mul3A_370 = vector.broadcast %div3A_369 : vector<1x512xf32> to vector<128x512xf32>
    %mul3A_371 = vector.broadcast %get3A_13 : vector<128x1xf32> to vector<128x512xf32>
    %mul3A_372 = arith.mulf %mul3A_370, %mul3A_371 : vector<128x512xf32>
    %add3A_373 = vector.broadcast %get3A_16 : vector<128x1xf32> to vector<128x512xf32>
    %add3A_374 = arith.addf %mul3A_372, %add3A_373 : vector<128x512xf32>
    %mul3A_375 = arith.constant 5.000000e-01 : f32
    %mul3A_376 = vector.broadcast %mul3A_375 : f32 to vector<128x512xf32>
    %mul3A_377 = arith.mulf %mul3A_376, %add3A_374 : vector<128x512xf32>
    %mul3A_378 = arith.constant 0.707106769 : f32
    %mul3A_379 = vector.broadcast %mul3A_378 : f32 to vector<128x512xf32>
    %mul3A_380 = arith.mulf %add3A_374, %mul3A_379 : vector<128x512xf32>
    %abs3A_381 = math.absf %mul3A_380 : vector<128x512xf32>
    %mul3A_382 = arith.constant 0.327591091 : f32
    %mul3A_383 = vector.broadcast %mul3A_382 : f32 to vector<128x512xf32>
    %mul3A_384 = arith.mulf %mul3A_383, %abs3A_381 : vector<128x512xf32>
    %add3A_385 = arith.constant 1.000000e+00 : f32
    %add3A_386 = vector.broadcast %add3A_385 : f32 to vector<128x512xf32>
    %add3A_387 = arith.addf %add3A_386, %mul3A_384 : vector<128x512xf32>
    %div3A_388 = arith.constant 1.000000e+00 : f32
    %div3A_389 = vector.broadcast %div3A_388 : f32 to vector<128x512xf32>
    %div3A_390 = arith.divf %div3A_389, %add3A_387 : vector<128x512xf32>
    %mul3A_391 = arith.constant 1.06140542 : f32
    %mul3A_392 = vector.broadcast %mul3A_391 : f32 to vector<128x512xf32>
    %mul3A_393 = arith.mulf %div3A_390, %mul3A_392 : vector<128x512xf32>
    %add3A_394 = arith.constant -1.45315206 : f32
    %add3A_395 = vector.broadcast %add3A_394 : f32 to vector<128x512xf32>
    %add3A_396 = arith.addf %add3A_395, %mul3A_393 : vector<128x512xf32>
    %mul3A_397 = arith.mulf %div3A_390, %add3A_396 : vector<128x512xf32>
    %add3A_398 = arith.constant 1.42141378 : f32
    %add3A_399 = vector.broadcast %add3A_398 : f32 to vector<128x512xf32>
    %add3A_400 = arith.addf %add3A_399, %mul3A_397 : vector<128x512xf32>
    %mul3A_401 = arith.mulf %div3A_390, %add3A_400 : vector<128x512xf32>
    %add3A_402 = arith.constant -0.284496725 : f32
    %add3A_403 = vector.broadcast %add3A_402 : f32 to vector<128x512xf32>
    %add3A_404 = arith.addf %add3A_403, %mul3A_401 : vector<128x512xf32>
    %mul3A_405 = arith.mulf %div3A_390, %add3A_404 : vector<128x512xf32>
    %add3A_406 = arith.constant 0.254829586 : f32
    %add3A_407 = vector.broadcast %add3A_406 : f32 to vector<128x512xf32>
    %add3A_408 = arith.addf %add3A_407, %mul3A_405 : vector<128x512xf32>
    %mul3A_409 = arith.mulf %div3A_390, %add3A_408 : vector<128x512xf32>
    %neg3A_410 = arith.constant 0.000000e+00 : f32
    %neg3A_411 = vector.broadcast %neg3A_410 : f32 to vector<128x512xf32>
    %neg3A_412 = arith.subf %neg3A_411, %abs3A_381 : vector<128x512xf32>
    %mul3A_413 = arith.mulf %neg3A_412, %abs3A_381 : vector<128x512xf32>
    %exp3A_414 = math.exp %mul3A_413 : vector<128x512xf32>
    %mul3A_415 = arith.mulf %mul3A_409, %exp3A_414 : vector<128x512xf32>
    %sub3A_416 = arith.constant 1.000000e+00 : f32
    %sub3A_417 = vector.broadcast %sub3A_416 : f32 to vector<128x512xf32>
    %sub3A_418 = arith.subf %sub3A_417, %mul3A_415 : vector<128x512xf32>
    %lt3A_419 = arith.constant 0.000000e+00 : f32
    %lt3A_420 = vector.broadcast %lt3A_419 : f32 to vector<128x512xf32>
    %lt3A_421 = arith.cmpf olt, %mul3A_380, %lt3A_420 : vector<128x512xf32>
    %neg3A_422 = arith.constant 0.000000e+00 : f32
    %neg3A_423 = vector.broadcast %neg3A_422 : f32 to vector<128x512xf32>
    %neg3A_424 = arith.subf %neg3A_423, %sub3A_418 : vector<128x512xf32>
    %select_n3A_425 = arith.select %lt3A_421, %neg3A_424, %sub3A_418 : vector<128x512xi1>, vector<128x512xf32>
    %add3A_426 = arith.constant 1.000000e+00 : f32
    %add3A_427 = vector.broadcast %add3A_426 : f32 to vector<128x512xf32>
    %add3A_428 = arith.addf %add3A_427, %select_n3A_425 : vector<128x512xf32>
    %mul3A_429 = arith.mulf %mul3A_377, %add3A_428 : vector<128x512xf32>
    %convert_element_type3A_430 = arith.truncf %mul3A_429 : vector<128x512xf32> to vector<128x512xbf16>
    %convert_element_type3A_431 = arith.extf %convert_element_type3A_430 : vector<128x512xbf16> to vector<128x512xf32>
    %mul3A_432 = vector.broadcast %get3A_19 : vector<128x1xf32> to vector<128x512xf32>
    %mul3A_433 = arith.mulf %convert_element_type3A_431, %mul3A_432 : vector<128x512xf32>
    %reduce_sum3A_434 = arith.constant dense<0.000000e+00> : vector<512xf32>
    %reduce_sum3A_435 = vector.multi_reduction <add>, %mul3A_433, %reduce_sum3A_434 [0] : vector<128x512xf32> to vector<512xf32>
    %broadcast_in_dim3A_436 = vector.shape_cast %reduce_sum3A_435 : vector<512xf32> to vector<1x512xf32>
    %add3A_437 = vector.broadcast %get3A_23 : f32 to vector<1x512xf32>
    %add3A_438 = arith.addf %broadcast_in_dim3A_436, %add3A_437 : vector<1x512xf32>
    %slice3A_439 = vector.extract_strided_slice %add3A {offsets = [6, 0], sizes = [1, 512], strides = [1, 1]} : vector<16x512xf32> to vector<1x512xf32>
    %div3A_440 = arith.divf %slice3A_439, %max3A_10 : vector<1x512xf32>
    %mul3A_441 = vector.broadcast %div3A_440 : vector<1x512xf32> to vector<128x512xf32>
    %mul3A_442 = vector.broadcast %get3A_13 : vector<128x1xf32> to vector<128x512xf32>
    %mul3A_443 = arith.mulf %mul3A_441, %mul3A_442 : vector<128x512xf32>
    %add3A_444 = vector.broadcast %get3A_16 : vector<128x1xf32> to vector<128x512xf32>
    %add3A_445 = arith.addf %mul3A_443, %add3A_444 : vector<128x512xf32>
    %mul3A_446 = arith.constant 5.000000e-01 : f32
    %mul3A_447 = vector.broadcast %mul3A_446 : f32 to vector<128x512xf32>
    %mul3A_448 = arith.mulf %mul3A_447, %add3A_445 : vector<128x512xf32>
    %mul3A_449 = arith.constant 0.707106769 : f32
    %mul3A_450 = vector.broadcast %mul3A_449 : f32 to vector<128x512xf32>
    %mul3A_451 = arith.mulf %add3A_445, %mul3A_450 : vector<128x512xf32>
    %abs3A_452 = math.absf %mul3A_451 : vector<128x512xf32>
    %mul3A_453 = arith.constant 0.327591091 : f32
    %mul3A_454 = vector.broadcast %mul3A_453 : f32 to vector<128x512xf32>
    %mul3A_455 = arith.mulf %mul3A_454, %abs3A_452 : vector<128x512xf32>
    %add3A_456 = arith.constant 1.000000e+00 : f32
    %add3A_457 = vector.broadcast %add3A_456 : f32 to vector<128x512xf32>
    %add3A_458 = arith.addf %add3A_457, %mul3A_455 : vector<128x512xf32>
    %div3A_459 = arith.constant 1.000000e+00 : f32
    %div3A_460 = vector.broadcast %div3A_459 : f32 to vector<128x512xf32>
    %div3A_461 = arith.divf %div3A_460, %add3A_458 : vector<128x512xf32>
    %mul3A_462 = arith.constant 1.06140542 : f32
    %mul3A_463 = vector.broadcast %mul3A_462 : f32 to vector<128x512xf32>
    %mul3A_464 = arith.mulf %div3A_461, %mul3A_463 : vector<128x512xf32>
    %add3A_465 = arith.constant -1.45315206 : f32
    %add3A_466 = vector.broadcast %add3A_465 : f32 to vector<128x512xf32>
    %add3A_467 = arith.addf %add3A_466, %mul3A_464 : vector<128x512xf32>
    %mul3A_468 = arith.mulf %div3A_461, %add3A_467 : vector<128x512xf32>
    %add3A_469 = arith.constant 1.42141378 : f32
    %add3A_470 = vector.broadcast %add3A_469 : f32 to vector<128x512xf32>
    %add3A_471 = arith.addf %add3A_470, %mul3A_468 : vector<128x512xf32>
    %mul3A_472 = arith.mulf %div3A_461, %add3A_471 : vector<128x512xf32>
    %add3A_473 = arith.constant -0.284496725 : f32
    %add3A_474 = vector.broadcast %add3A_473 : f32 to vector<128x512xf32>
    %add3A_475 = arith.addf %add3A_474, %mul3A_472 : vector<128x512xf32>
    %mul3A_476 = arith.mulf %div3A_461, %add3A_475 : vector<128x512xf32>
    %add3A_477 = arith.constant 0.254829586 : f32
    %add3A_478 = vector.broadcast %add3A_477 : f32 to vector<128x512xf32>
    %add3A_479 = arith.addf %add3A_478, %mul3A_476 : vector<128x512xf32>
    %mul3A_480 = arith.mulf %div3A_461, %add3A_479 : vector<128x512xf32>
    %neg3A_481 = arith.constant 0.000000e+00 : f32
    %neg3A_482 = vector.broadcast %neg3A_481 : f32 to vector<128x512xf32>
    %neg3A_483 = arith.subf %neg3A_482, %abs3A_452 : vector<128x512xf32>
    %mul3A_484 = arith.mulf %neg3A_483, %abs3A_452 : vector<128x512xf32>
    %exp3A_485 = math.exp %mul3A_484 : vector<128x512xf32>
    %mul3A_486 = arith.mulf %mul3A_480, %exp3A_485 : vector<128x512xf32>
    %sub3A_487 = arith.constant 1.000000e+00 : f32
    %sub3A_488 = vector.broadcast %sub3A_487 : f32 to vector<128x512xf32>
    %sub3A_489 = arith.subf %sub3A_488, %mul3A_486 : vector<128x512xf32>
    %lt3A_490 = arith.constant 0.000000e+00 : f32
    %lt3A_491 = vector.broadcast %lt3A_490 : f32 to vector<128x512xf32>
    %lt3A_492 = arith.cmpf olt, %mul3A_451, %lt3A_491 : vector<128x512xf32>
    %neg3A_493 = arith.constant 0.000000e+00 : f32
    %neg3A_494 = vector.broadcast %neg3A_493 : f32 to vector<128x512xf32>
    %neg3A_495 = arith.subf %neg3A_494, %sub3A_489 : vector<128x512xf32>
    %select_n3A_496 = arith.select %lt3A_492, %neg3A_495, %sub3A_489 : vector<128x512xi1>, vector<128x512xf32>
    %add3A_497 = arith.constant 1.000000e+00 : f32
    %add3A_498 = vector.broadcast %add3A_497 : f32 to vector<128x512xf32>
    %add3A_499 = arith.addf %add3A_498, %select_n3A_496 : vector<128x512xf32>
    %mul3A_500 = arith.mulf %mul3A_448, %add3A_499 : vector<128x512xf32>
    %convert_element_type3A_501 = arith.truncf %mul3A_500 : vector<128x512xf32> to vector<128x512xbf16>
    %convert_element_type3A_502 = arith.extf %convert_element_type3A_501 : vector<128x512xbf16> to vector<128x512xf32>
    %mul3A_503 = vector.broadcast %get3A_19 : vector<128x1xf32> to vector<128x512xf32>
    %mul3A_504 = arith.mulf %convert_element_type3A_502, %mul3A_503 : vector<128x512xf32>
    %reduce_sum3A_505 = arith.constant dense<0.000000e+00> : vector<512xf32>
    %reduce_sum3A_506 = vector.multi_reduction <add>, %mul3A_504, %reduce_sum3A_505 [0] : vector<128x512xf32> to vector<512xf32>
    %broadcast_in_dim3A_507 = vector.shape_cast %reduce_sum3A_506 : vector<512xf32> to vector<1x512xf32>
    %add3A_508 = vector.broadcast %get3A_23 : f32 to vector<1x512xf32>
    %add3A_509 = arith.addf %broadcast_in_dim3A_507, %add3A_508 : vector<1x512xf32>
    %slice3A_510 = vector.extract_strided_slice %add3A {offsets = [7, 0], sizes = [1, 512], strides = [1, 1]} : vector<16x512xf32> to vector<1x512xf32>
    %div3A_511 = arith.divf %slice3A_510, %max3A_10 : vector<1x512xf32>
    %mul3A_512 = vector.broadcast %div3A_511 : vector<1x512xf32> to vector<128x512xf32>
    %mul3A_513 = vector.broadcast %get3A_13 : vector<128x1xf32> to vector<128x512xf32>
    %mul3A_514 = arith.mulf %mul3A_512, %mul3A_513 : vector<128x512xf32>
    %add3A_515 = vector.broadcast %get3A_16 : vector<128x1xf32> to vector<128x512xf32>
    %add3A_516 = arith.addf %mul3A_514, %add3A_515 : vector<128x512xf32>
    %mul3A_517 = arith.constant 5.000000e-01 : f32
    %mul3A_518 = vector.broadcast %mul3A_517 : f32 to vector<128x512xf32>
    %mul3A_519 = arith.mulf %mul3A_518, %add3A_516 : vector<128x512xf32>
    %mul3A_520 = arith.constant 0.707106769 : f32
    %mul3A_521 = vector.broadcast %mul3A_520 : f32 to vector<128x512xf32>
    %mul3A_522 = arith.mulf %add3A_516, %mul3A_521 : vector<128x512xf32>
    %abs3A_523 = math.absf %mul3A_522 : vector<128x512xf32>
    %mul3A_524 = arith.constant 0.327591091 : f32
    %mul3A_525 = vector.broadcast %mul3A_524 : f32 to vector<128x512xf32>
    %mul3A_526 = arith.mulf %mul3A_525, %abs3A_523 : vector<128x512xf32>
    %add3A_527 = arith.constant 1.000000e+00 : f32
    %add3A_528 = vector.broadcast %add3A_527 : f32 to vector<128x512xf32>
    %add3A_529 = arith.addf %add3A_528, %mul3A_526 : vector<128x512xf32>
    %div3A_530 = arith.constant 1.000000e+00 : f32
    %div3A_531 = vector.broadcast %div3A_530 : f32 to vector<128x512xf32>
    %div3A_532 = arith.divf %div3A_531, %add3A_529 : vector<128x512xf32>
    %mul3A_533 = arith.constant 1.06140542 : f32
    %mul3A_534 = vector.broadcast %mul3A_533 : f32 to vector<128x512xf32>
    %mul3A_535 = arith.mulf %div3A_532, %mul3A_534 : vector<128x512xf32>
    %add3A_536 = arith.constant -1.45315206 : f32
    %add3A_537 = vector.broadcast %add3A_536 : f32 to vector<128x512xf32>
    %add3A_538 = arith.addf %add3A_537, %mul3A_535 : vector<128x512xf32>
    %mul3A_539 = arith.mulf %div3A_532, %add3A_538 : vector<128x512xf32>
    %add3A_540 = arith.constant 1.42141378 : f32
    %add3A_541 = vector.broadcast %add3A_540 : f32 to vector<128x512xf32>
    %add3A_542 = arith.addf %add3A_541, %mul3A_539 : vector<128x512xf32>
    %mul3A_543 = arith.mulf %div3A_532, %add3A_542 : vector<128x512xf32>
    %add3A_544 = arith.constant -0.284496725 : f32
    %add3A_545 = vector.broadcast %add3A_544 : f32 to vector<128x512xf32>
    %add3A_546 = arith.addf %add3A_545, %mul3A_543 : vector<128x512xf32>
    %mul3A_547 = arith.mulf %div3A_532, %add3A_546 : vector<128x512xf32>
    %add3A_548 = arith.constant 0.254829586 : f32
    %add3A_549 = vector.broadcast %add3A_548 : f32 to vector<128x512xf32>
    %add3A_550 = arith.addf %add3A_549, %mul3A_547 : vector<128x512xf32>
    %mul3A_551 = arith.mulf %div3A_532, %add3A_550 : vector<128x512xf32>
    %neg3A_552 = arith.constant 0.000000e+00 : f32
    %neg3A_553 = vector.broadcast %neg3A_552 : f32 to vector<128x512xf32>
    %neg3A_554 = arith.subf %neg3A_553, %abs3A_523 : vector<128x512xf32>
    %mul3A_555 = arith.mulf %neg3A_554, %abs3A_523 : vector<128x512xf32>
    %exp3A_556 = math.exp %mul3A_555 : vector<128x512xf32>
    %mul3A_557 = arith.mulf %mul3A_551, %exp3A_556 : vector<128x512xf32>
    %sub3A_558 = arith.constant 1.000000e+00 : f32
    %sub3A_559 = vector.broadcast %sub3A_558 : f32 to vector<128x512xf32>
    %sub3A_560 = arith.subf %sub3A_559, %mul3A_557 : vector<128x512xf32>
    %lt3A_561 = arith.constant 0.000000e+00 : f32
    %lt3A_562 = vector.broadcast %lt3A_561 : f32 to vector<128x512xf32>
    %lt3A_563 = arith.cmpf olt, %mul3A_522, %lt3A_562 : vector<128x512xf32>
    %neg3A_564 = arith.constant 0.000000e+00 : f32
    %neg3A_565 = vector.broadcast %neg3A_564 : f32 to vector<128x512xf32>
    %neg3A_566 = arith.subf %neg3A_565, %sub3A_560 : vector<128x512xf32>
    %select_n3A_567 = arith.select %lt3A_563, %neg3A_566, %sub3A_560 : vector<128x512xi1>, vector<128x512xf32>
    %add3A_568 = arith.constant 1.000000e+00 : f32
    %add3A_569 = vector.broadcast %add3A_568 : f32 to vector<128x512xf32>
    %add3A_570 = arith.addf %add3A_569, %select_n3A_567 : vector<128x512xf32>
    %mul3A_571 = arith.mulf %mul3A_519, %add3A_570 : vector<128x512xf32>
    %convert_element_type3A_572 = arith.truncf %mul3A_571 : vector<128x512xf32> to vector<128x512xbf16>
    %convert_element_type3A_573 = arith.extf %convert_element_type3A_572 : vector<128x512xbf16> to vector<128x512xf32>
    %mul3A_574 = vector.broadcast %get3A_19 : vector<128x1xf32> to vector<128x512xf32>
    %mul3A_575 = arith.mulf %convert_element_type3A_573, %mul3A_574 : vector<128x512xf32>
    %reduce_sum3A_576 = arith.constant dense<0.000000e+00> : vector<512xf32>
    %reduce_sum3A_577 = vector.multi_reduction <add>, %mul3A_575, %reduce_sum3A_576 [0] : vector<128x512xf32> to vector<512xf32>
    %broadcast_in_dim3A_578 = vector.shape_cast %reduce_sum3A_577 : vector<512xf32> to vector<1x512xf32>
    %add3A_579 = vector.broadcast %get3A_23 : f32 to vector<1x512xf32>
    %add3A_580 = arith.addf %broadcast_in_dim3A_578, %add3A_579 : vector<1x512xf32>
    %concatenate3A = tpu.concatenate %add3A_83, %add3A_154, %add3A_225, %add3A_296, %add3A_367, %add3A_438, %add3A_509, %add3A_580 in 0 : vector<1x512xf32>, vector<1x512xf32>, vector<1x512xf32>, vector<1x512xf32>, vector<1x512xf32>, vector<1x512xf32>, vector<1x512xf32>, vector<1x512xf32> -> vector<8x512xf32>
    %swap3A = arith.constant 0 : index
    %swap3A_581 = arith.constant 0 : index
    %swap3A_582 = vector.load %arg6[%swap3A, %swap3A_581] : memref<8x512xf32, #tpu.memory_space<vmem>>, vector<8x512xf32>
    tpu.vector_store %arg6[%swap3A, %swap3A_581], %concatenate3A {strides = array<i32>} : memref<8x512xf32, #tpu.memory_space<vmem>>, vector<8x512xf32>,
    return
  }
  func.func @transform_0(%arg0: i32) -> (i32, i32, i32) {
    %c0_i32 = arith.constant 0 : i32
    %c0_i32_0 = arith.constant 0 : i32
    %c0_i32_1 = arith.constant 0 : i32
    return %c0_i32, %c0_i32_0, %arg0 : i32, i32, i32
  }
  func.func @transform_1(%arg0: i32) -> (i32, i32) {
    %c0_i32 = arith.constant 0 : i32
    %c0_i32_0 = arith.constant 0 : i32
    %c0_i32_1 = arith.constant 0 : i32
    return %c0_i32, %c0_i32_0 : i32, i32
  }
  func.func @transform_2(%arg0: i32) -> (i32, i32) {
    %c0_i32 = arith.constant 0 : i32
    %c0_i32_0 = arith.constant 0 : i32
    %c0_i32_1 = arith.constant 0 : i32
    return %c0_i32, %c0_i32_0 : i32, i32
  }
  func.func @transform_3(%arg0: i32) -> (i32, i32) {
    %c0_i32 = arith.constant 0 : i32
    %c0_i32_0 = arith.constant 0 : i32
    %c0_i32_1 = arith.constant 0 : i32
    return %c0_i32, %c0_i32_0 : i32, i32
  }
  func.func @transform_4(%arg0: i32) -> (i32, i32) {
    %c0_i32 = arith.constant 0 : i32
    %c0_i32_0 = arith.constant 0 : i32
    %c0_i32_1 = arith.constant 0 : i32
    return %c0_i32, %c0_i32_0 : i32, i32
  }
  func.func @transform_5(%arg0: i32) -> (i32, i32) {
    %c0_i32 = arith.constant 0 : i32
    %c0_i32_0 = arith.constant 0 : i32
    return %c0_i32, %arg0 : i32, i32
  }
}

</mosaic_0001>

<sc_bundles>
// kernel: kernel.4.cloned.1.call-start
scs
__scs_entry_jumppad:
0x0: {  	(pc) =	sbr.rel $0x88, $3  }
0x1: {  	(tag) =	ssettag $0x0;
	lr =	simm.s32 $0x1  }
0x2: {  	[smem:$0x3F9B] =	sst lr;
	_ =	strace $0xD0000000  }
0x3: {  	_ = 	snop  }
0x4: {  	_ = 	snop  }
0x5: {  	_ = 	snop  }
0x6: {  	_ = 	snop  }
0x7: {  	_ = 	snop  }
__scs_overlays_trampoline_lowered:
0x8: {  	[smem:$0x3FAA] =	sst s0  }
0x9: {  	[smem:$0x3FAB] =	sst s1  }
0xa: {  	[smem:$0x3FAC] =	sst s2  }
0xb: {  	[smem:$0x3FAD] =	sst s3  }
0xc: {  	[smem:$0x3FAE] =	sst s4  }
0xd: {  	[smem:$0x3FAF] =	sst s5  }
0xe: {  	[smem:$0x3FB0] =	sst s6  }
0xf: {  	[smem:$0x3FB1] =	sst s7  }
0x10: {  	[smem:$0x3FB2] =	sst s8  }
0x11: {  	[smem:$0x3FB3] =	sst s9;
	s0 =	simm.s32 @!p0 $0x0  }
0x12: {  	s1 =	sld [smem:$0x3F99];
	s0 =	simm.s32 @p0 $0x1  }
0x13: {  	[smem:$0x3FB4] =	sst s0;
	s0 =	simm.s32 @!p1 $0x0  }
0x14: {  	s2 =	sld [smem:$0x3F98];
	s0 =	simm.s32 @p1 $0x1  }
0x15: {  	[smem:$0x3FB5] =	sst s0;
	s0 =	simm.s32 @!p2 $0x0  }
0x16: {  	s3 =	sld [smem:$0x3FDB];
	s0 =	simm.s32 @p2 $0x1  }
0x17: {  	s4 =	simm.s32 $0x1BF5;
	[smem:$0x3FB7] =	sst s0  }
0x18: {  	s0 =	sld [smem:$0x3F9A];
	_ =	swait.ge [sflag:s4], $0x0  }
0x19: {  	s7 =	sld [smem:$0x3F9B]  }
0x1a: {  	s8 =	sadd.s32 $0xFFFFE003, lr  }
0x1b: {  	s9 =	sadd.s32 $0xFFFFFEF7, lr;
	s5 =	simm.s32 $0xFFFFFFFF;
	p2 =	slt.u32 s8, $0xFFFFF086  }
0x1c: {  	p1 =	slt.u32 s9, $0xF7A;
	s5 =	simm.s32 @!p2 $0x0  }
0x1d: {  	s5 =	simm.s32 @p1 $0x1;
	p0 =	seq.s32 s7, s2  }
0x1e: {  	s7 =	smul.u32 @!p0 $0xF7A, s2;
	p2 =	seq.s32 @!p0 s5, $0x0  }
0x1f: {  	s9 =	smul.u32 $0xF7A, s1;
	s8 =	simm.s32 @!p0 $0x1BF5;
	p2 =	por !p2, p0  }
0x20: {  	[sflag:s8] =	ssyncset.s32 @!p0 $0xFFFFF086;
	s6 =	sadd.s32 @!p0 s3, s7;
	s7 =	simm.s32 @!p0 $0x108  }
0x21: {  	s3 =	sadd.s32 s3, s9;
	s6 =	sadd.s32 @!p0 $0x88, s6;
	s7 =	simm.s32 @p2 $0x1082  }
0x22: {  	[simem:s7], [sflag:s8] =	dma.local @!p0 [hbm:s6], $0xF7A  }
0x23: {  	s9 =	sor.u32 $0xD0000000, s2;
	s6 =	simm.s32 $0x108;
	_ =	swait.ge @!p0 [sflag:s8], $0x0  }
0x24: {  	s3 =	sadd.s32 $0x88, s3;
	s6 =	simm.s32 @!p1 $0x1082;
	[sflag:s4] =	ssyncset.s32 $0xFFFFF086  }
0x25: {  	[simem:s6], [sflag:s4] =	dma.local [hbm:s3], $0xF7A  }
0x26: {  	[smem:$0x3F9B] =	sst s1;
	(tag) =	ssettag s2;
	_ =	strace s9  }
0x27: {  	s1 =	sld [smem:$0x3FAB]  }
0x28: {  	s2 =	sld [smem:$0x3FAC]  }
0x29: {  	s4 =	sld [smem:$0x3FAE]  }
0x2a: {  	p0 =	seq.s32 s5, $0x0;
	s5 =	sld [smem:$0x3FAF]  }
0x2b: {  	s6 =	sld [smem:$0x3FB0]  }
0x2c: {  	s7 =	sld [smem:$0x3FB1]  }
0x2d: {  	s3 =	simm.s32 $0x108;
	s8 =	sld [smem:$0x3FB2]  }
0x2e: {  	s3 =	simm.s32 @!p0 $0x1082;
	s9 =	sld [smem:$0x3FB3]  }
0x2f: {  	lr =	sadd.s32 s0, s3;
	s0 =	sld [smem:$0x3FAA]  }
0x30: {  	s3 =	sld [smem:$0x3FAD]  }
0x31: {  	[smem:$0x3FB6] =	sst s10  }
0x32: {  	s10 =	sld [smem:$0x3FB4];
	_ =	sdelay $0x3  }
0x33: {  	p0 =	seq.s32 s10, $0x1;
	s10 =	sld [smem:$0x3FB6];
	_ =	sdelay $0x3  }
0x34: {  	[smem:$0x3FB6] =	sst s10  }
0x35: {  	s10 =	sld [smem:$0x3FB5];
	_ =	sdelay $0x3  }
0x36: {  	p1 =	seq.s32 s10, $0x1;
	s10 =	sld [smem:$0x3FB6];
	_ =	sdelay $0x3  }
0x37: {  	[smem:$0x3FB6] =	sst s10  }
0x38: {  	s10 =	sld [smem:$0x3FB7]  }
0x39: {  	_ = 	snop;
	(pc) =	sbr.ind lr, $3  }
0x3a: {  	_ = 	snop  }
0x3b: {  	_ = 	snop  }
0x3c: {  	p2 =	seq.s32 s10, $0x1;
	s10 =	sld [smem:$0x3FB6]  }
0x3d: {  	_ =	shalt  }
0x3e: {  	_ =	shalt  }
0x3f: {  	_ =	shalt  }
0x40: {  	_ =	shalt  }
0x41: {  	_ =	shalt  }
0x42: {  	_ =	shalt  }
0x43: {  	_ =	shalt  }
0x44: {  	_ =	shalt  }
0x45: {  	_ =	shalt  }
0x46: {  	_ =	shalt  }
0x47: {  	_ =	shalt  }
0x48: {  	_ =	shalt  }
0x49: {  	_ =	shalt  }
0x4a: {  	_ =	shalt  }
0x4b: {  	_ =	shalt  }
0x4c: {  	_ =	shalt  }
0x4d: {  	_ =	shalt  }
0x4e: {  	_ =	shalt  }
0x4f: {  	_ =	shalt  }
0x50: {  	_ =	shalt  }
0x51: {  	_ =	shalt  }
0x52: {  	_ =	shalt  }
0x53: {  	_ =	shalt  }
0x54: {  	_ =	shalt  }
0x55: {  	_ =	shalt  }
0x56: {  	_ =	shalt  }
0x57: {  	_ =	shalt  }
0x58: {  	_ =	shalt  }
0x59: {  	_ =	shalt  }
0x5a: {  	_ =	shalt  }
0x5b: {  	_ =	shalt  }
0x5c: {  	_ =	shalt  }
0x5d: {  	_ =	shalt  }
0x5e: {  	_ =	shalt  }
0x5f: {  	_ =	shalt  }
0x60: {  	_ =	shalt  }
0x61: {  	_ =	shalt  }
0x62: {  	_ =	shalt  }
0x63: {  	_ =	shalt  }
0x64: {  	_ =	shalt  }
0x65: {  	_ =	shalt  }
0x66: {  	_ =	shalt  }
0x67: {  	_ =	shalt  }
0x68: {  	_ =	shalt  }
0x69: {  	_ =	shalt  }
0x6a: {  	_ =	shalt  }
0x6b: {  	_ =	shalt  }
0x6c: {  	_ =	shalt  }
0x6d: {  	_ =	shalt  }
0x6e: {  	_ =	shalt  }
0x6f: {  	_ =	shalt  }
0x70: {  	_ =	shalt  }
0x71: {  	_ =	shalt  }
0x72: {  	_ =	shalt  }
0x73: {  	_ =	shalt  }
0x74: {  	_ =	shalt  }
0x75: {  	_ =	shalt  }
0x76: {  	_ =	shalt  }
0x77: {  	_ =	shalt  }
0x78: {  	_ =	shalt  }
0x79: {  	_ =	shalt  }
0x7a: {  	_ =	shalt  }
0x7b: {  	_ =	shalt  }
0x7c: {  	_ =	shalt  }
0x7d: {  	_ =	shalt  }
0x7e: {  	_ =	shalt  }
0x7f: {  	_ =	shalt  }
0x80: {  	_ =	shalt  }
0x81: {  	_ =	shalt  }
0x82: {  	_ =	shalt  }
0x83: {  	_ =	shalt  }
0x84: {  	_ =	shalt  }
0x85: {  	_ =	shalt  }
0x86: {  	_ =	shalt  }
0x87: {  	_ =	shalt  }
.Lfunc_end0:
.L_simem_size_0:
called_computation_lowered:
.L_overlay_start_0:
0x88: {  	s2 =	sld [smem:$0x3FD9]  }
0x89: {  	s3 =	sld [smem:$0x3FFE];
	_ =	sdelay $0x1  }
0x8a: {  	s1 =	srdreg.scid  }
0x8b: {  	s0 =	sand.u32 $0x1, s1  }
0x8c: {  	s16 =	sshll.u32 s0, $0xA;
	s2 =	sadd.s32 s3, s2  }
0x8d: {  	s2 =	sadd.s32 s2, s16  }
0x8e: {  	[smem:$0x3FC2] =	sst s2  }
0x8f: {  	_ = 	snop  }
0x90: {  	(tm) =	ssettm $0x1  }
0x91: {  	s17 =	sld [smem:$0x3FFB];
	_ =	sdelay $0x3  }
0x92: {  	_ =	strace s17  }
0x93: {  	s2 =	sld [smem:$0x3FFC];
	_ =	sdelay $0x3  }
0x94: {  	_ =	strace s2  }
0x95: {  	s2 =	sld [smem:$0x3FFD];
	_ =	sdelay $0x3  }
0x96: {  	_ =	strace s2  }
0x97: {  	_ =	strace $0x8FFFFFFF  }
0x98: {  	s18 =	sld [smem:$0x3FDB];
	_ =	sdelay $0x1  }
0x99: {  	s19 =	simm.s32 $_scs_section_size  }
0x9a: {  	s4 =	simm.s32 $_size__tile_overlayer_lowered;
	s5 =	simm.s32 $_tile_overlayer_lowered  }
0x9b: {  	s22 =	simm.s32 $0x1BFF;
	s21 =	sshll.u32 s5, $0x1;
	s2 =	sadd.s32 s19, s18  }
0x9c: {  	s6 =	simm.s32 $0x0;
	s20 =	sshll.u32 s4, $0x1;
	s4 =	sadd.s32 s21, s2  }
0x9d: {  	[timem:s6], [sflag:s22] =	dma.local [hbm:s4], s20  }
0x9e: {  	_ =	swait.ge [sflag:s22], s20  }
0x9f: {  	s3 =	ssub.s32 $0x0, s20;
	[sflag:s22] =	ssyncset.done $0x0  }
0xa0: {  	[sflag:s22] =	ssyncadd.s32 s3;
	_ =	sdelay $0x1  }
0xa1: {  	s23 =	simm.s32 $0x1B8B  }
0xa2: {  	_ =	swait.ge [sflag:s23], $0x1  }
0xa3: {  	[sflag:s23] =	ssyncset.done $0x0  }
0xa4: {  	s25 =	simm.s32 $0x1B8E;
	s24 =	sld [smem:$0x3FFE];
	[sflag:s23] =	ssyncadd.s32 $0xFFFFFFFF  }
0xa5: {  	s26 =	simm.s32 $execute0_lowered;
	[smem:$0x3FD2] =	sst s25  }
0xa6: {  	s4 =	sshll.u32 s26, $0x1;
	_ =	strace $0x80000046;
	[dreg:$0x1] =	wrdreg $0xFFFFFFFF  }
0xa7: {  	s28 =	simm.s32 $_size_execute0_lowered;
	s2 =	sadd.s32 s2, s4;
	[dreg:$0x0] =	wrdreg $0x0  }
0xa8: {  	s4 =	sshll.u32 s28, $0x1;
	[dreg:$0x2] =	wrdreg s2  }
0xa9: {  	[dreg:$0x3] =	wrdreg s4  }
0xaa: {  	[dreg:$0x4] =	wrdreg $0xC0  }
0xab: {  	_ =	task [dreg:s6], $0x5FFFF  }
0xac: {  	[dreg:$0x1] =	wrdreg $0xFFFFFFFF  }
0xad: {  	[dreg:$0x0] =	wrdreg $0x60  }
0xae: {  	[dreg:$0x2] =	wrdreg s24  }
0xaf: {  	[dreg:$0x3] =	wrdreg $0x50000  }
0xb0: {  	[dreg:$0x4] =	wrdreg $0x9  }
0xb1: {  	_ =	task.clear_ibuf [dreg:s6], $0x5FFFF;
	_ =	strace $0x90000046  }
0xb2: {  	s29 =	simm.s32 $0x9;
	_ =	strace $0x80000048  }
0xb3: {  	_ =	swait.ge [sflag:s29], $0x1  }
0xb4: {  	[sflag:s29] =	ssyncadd.s32 $0xFFFFFFFF  }
0xb5: {  	_ =	strace $0x90000048  }
0xb6: {  	_ =	sfence  }
0xb7: {  	s30 =	sld [smem:$0x0];
	_ =	sdelay $0x2  }
0xb8: {  	s31 =	sshll.u32 s1, $0xD;
	s1 =	sshrl.u32 s1, $0x2  }
0xb9: {  	s3 =	sand.u32 $0x4000, s31;
	s1 =	sadd.s32 s1, s30  }
0xba: {  	s0 =	sor.u32 s3, s0;
	s1 =	sshll.u32 s1, $0x11  }
0xbb: {  	s0 =	sor.u32 s1, s0  }
0xbc: {  	s0 =	sadd.s32 $0x8F2B, s0  }
0xbd: {  	[sflag:s0] =	ssyncadd.remote.s32 $0x1  }
0xbe: {  	_ =	sfence.sel $0xFFFF  }
0xbf: {  	[dreg:$0x0] =	wrdreg $0xFFFFFFFF;
	(pc) =	sbr.abs _section_cstart, $3  }
0xc0: {  	[dreg:$0x1] =	wrdreg $0xFFFFFFFF  }
0xc1: {  	_ =	task.clear_ibuf [dreg:s6], $0x2FFFF;
	_ =	strace $0x9FFFFFFF  }
0xc2: {  	(tm) =	ssettm $0x7FFFFFFF  }
0xc3: {  	_ =	shalt  }
tec
execute0_lowered:
.L_overlay_start_1:
0x0: {  	(tag) =	ssettag $0x1  }
0x1: {  	s3 =	rddreg [dreg:$0x0]  }
0x2: {  	s2 =	rddreg [dreg:$0x1];
	s5 =	simm.s32 $0x0  }
0x3: {  	s13 =	simm.s32 $0x880;
	[smem:$0x7FF] =	sst s5  }
0x4: {  	s15 =	simm.s32 $0x900;
	_ =	strace $0x80000047;
	[dreg:$0x5] =	wrdreg s13  }
0x5: {  	s0 =	srdreg.scid;
	s16 =	simm.s32 $0x980;
	[dreg:$0x6] =	wrdreg s15  }
0x6: {  	s9 =	stileid.u32;
	s17 =	simm.s32 $0xA00;
	[dreg:$0x7] =	wrdreg s16  }
0x7: {  	s18 =	simm.s32 $0xA80;
	s20 =	simm.s32 $0xB00;
	[dreg:$0x8] =	wrdreg s17  }
0x8: {  	s21 =	simm.s32 $0x100;
	s22 =	simm.s32 $0xB80;
	[dreg:$0x9] =	wrdreg s18  }
0x9: {  	s23 =	simm.s32 $0x180;
	s25 =	simm.s32 $0xC00;
	[dreg:$0xa] =	wrdreg s20  }
0xa: {  	s26 =	simm.s32 $0x200;
	s28 =	simm.s32 $0x6;
	[dreg:$0xb] =	wrdreg s21  }
0xb: {  	s29 =	simm.s32 $0xB;
	s30 =	simm.s32 $0x7;
	[dreg:$0xc] =	wrdreg s22  }
0xc: {  	s31 =	simm.s32 $0xC;
	s4 =	smul.u32 $0x18800, s9;
	[dreg:$0xd] =	wrdreg s23  }
0xd: {  	s0 =	sand.u32 $0x1, s0;
	s12 =	smul.u32 $0x18700, s9;
	[dreg:$0xe] =	wrdreg s25  }
0xe: {  	s24 =	sshll.u32 s9, $0x6;
	s9 =	simm.s32 $0xD80;
	[dreg:$0xf] =	wrdreg s26  }
0xf: {  	s1 =	smul.u32 $0x188000, s0;
	[dreg:$0x14] =	wrdreg s9;
	s15 =	simm.s32 $0xE00  }
0x10: {  	s8 =	smul.u32 $0x187000, s0;
	s16 =	simm.s32 $0x400;
	[dreg:$0x16] =	wrdreg s15  }
0x11: {  	s0 =	ssub.s32 $0x2, s0;
	s17 =	simm.s32 $0xE80;
	[dreg:$0x17] =	wrdreg s16  }
0x12: {  	s10 =	sor.u32 $0x1C12, s24;
	s18 =	simm.s32 $0x480;
	[dreg:$0x18] =	wrdreg s17  }
0x13: {  	s13 =	simm.s32 $0x80;
	s20 =	simm.s32 $0x500;
	[dreg:$0x19] =	wrdreg s18  }
0x14: {  	s21 =	simm.s32 $0xF80;
	s22 =	simm.s32 $0x580;
	[dreg:$0x1b] =	wrdreg s20  }
0x15: {  	s23 =	simm.s32 $0x600;
	s24 =	simm.s32 $0x680;
	[dreg:$0x1c] =	wrdreg s21  }
0x16: {  	s25 =	simm.s32 $0x700;
	s26 =	simm.s32 $0x780;
	[dreg:$0x1d] =	wrdreg s22  }
0x17: {  	s9 =	simm.s32 $0x11;
	s6 =	sshrl.u32 s12, $0x3;
	[dreg:$0x1e] =	wrdreg s23  }
0x18: {  	s19 =	sshrl.u32 s0, $0x1;
	s5 =	sadd.s32 s12, s2;
	[dreg:$0x1f] =	wrdreg s24  }
0x19: {  	s21 =	simm.s32 $0x3;
	s23 =	simm.s32 $0x4;
	[smem:$0x7FA] =	sst s25  }
0x1a: {  	[smem:$0x7FB] =	sst s26;
	s25 =	simm.s32 $0x5;
	s26 =	simm.s32 $0xA  }
0x1b: {  	[smem:$0x7FC] =	sst s10;
	s22 =	simm.s32 $0x3000;
	s24 =	simm.s32 $0x4000  }
0x1c: {  	s1 =	sadd.s32 s4, s1;
	s4 =	sadd.s32 $0x187600, s3;
	s6 =	sadd.s32 s6, s3  }
0x1d: {  	s14 =	sadd.s32 s12, s8;
	s0 =	ssub.s32 s0, s19;
	s8 =	simm.s32 $0x300  }
0x1e: {  	s11 =	sshrl.u32 s5, $0x3;
	s12 =	simm.s32 $0x380;
	[dreg:$0x13] =	wrdreg s8  }
0x1f: {  	s19 =	simm.s32 $0xF00;
	s5 =	simm.s32 $0x9;
	[dreg:$0x15] =	wrdreg s12  }
0x20: {  	s1 =	sshrl.u32 s1, $0x3;
	s6 =	sadd.s32 $0xC4C00, s6;
	[dreg:$0x1a] =	wrdreg s19  }
0x21: {  	s0 =	smax.u32 s0, $0x1;
	s19 =	simm.s32 $0x2;
	[smem:$0x7FD] =	sst s11  }
0x22: {  	s8 =	simm.s32 $0xF;
	s12 =	simm.s32 $0x0;
	[smem:$0x7F7] =	sst s6  }
0x23: {  	s1 =	sadd.s32 s1, s3;
	[smem:$0x7F9] =	sst s0;
	s6 =	simm.s32 $0x280  }
0x24: {  	s0 =	simm.s32 $0xD;
	s7 =	sadd.s32 $0xC00, s1;
	[dreg:$0x11] =	wrdreg s6  }
0x25: {  	s1 =	sadd.s32 $0x62C00, s1;
	[dreg:$0x3] =	wrdreg s7;
	s7 =	sshrl.u32 s14, $0x3  }
0x26: {  	[dreg:$0x4] =	wrdreg s1;
	s3 =	sadd.s32 s7, s3;
	s7 =	simm.s32 $0xD00  }
0x27: {  	s6 =	simm.s32 $0x10;
	s3 =	sadd.s32 $0xF5A00, s3;
	[dreg:$0x12] =	wrdreg s7  }
0x28: {  	s14 =	simm.s32 $0x12;
	[smem:$0x7F8] =	sst s3;
	s3 =	simm.s32 $0xC80  }
0x29: {  	s1 =	simm.s32 $0x8;
	s7 =	simm.s32 $0xE;
	[dreg:$0x10] =	wrdreg s3  }
.LBB2_1:
0x2a: {  	s3 =	sld [smem:$0x7F7];
	_ =	sdelay $0x1  }
0x2b: {  	[smem:$0x7F6] =	sst s12  }
0x2c: {  	[spmem:s11], [sflag:s10] =	dma.local [hbm:s3], $0x30E0  }
0x2d: {  	_ =	swait.ge [sflag:s14], $0x30E0  }
0x2e: {  	[sflag:s14] =	ssyncset.done $0x0  }
0x2f: {  	[sflag:s14] =	ssyncadd.s32 $0xFFFFCF20  }
0x30: {  	[bflag:$0x0] =	sbarrier.arrive $0xFFFF  }
0x31: {  	s11 =	rddreg [dreg:$0x4]  }
0x32: {  	s12 =	rddreg [dreg:$0x3];
	s3 =	sadd.s32 $0x0, s11;
	s11 =	simm.s32 $0x0  }
0x33: {  	[tilespmem:s11], [sflag:$0x1] =	stream.linear.gather [hbm4b:s3+s11], $0x800, $0x38;
	[tilespmem:$0x1D700] =	vst v63  }
0x34: {  	s15 =	simm.s32 $0x800;
	s16 =	simm.s32 $0x1;
	s14 =	sadd.s32 $0x0, s12  }
0x35: {  	[tilespmem:s15], [sflag:$0x1] =	stream.linear.gather [hbm4b:s14+s11], $0x800, $0x38;
	[tilespmem:$0x1D700] =	vst v63  }
0x36: {  	_ =	swait.ge [sflag:s16], $0x800  }
0x37: {  	[sflag:s16] =	ssyncset.done $0x0  }
0x38: {  	[sflag:s16] =	ssyncadd.s32 $0xFFFFF800  }
0x39: {  	_ =	swait.ge [sflag:s16], $0x800  }
0x3a: {  	[sflag:s16] =	ssyncset.done $0x0  }
0x3b: {  	s14 =	simm.s32 $0x1000;
	[sflag:s16] =	ssyncadd.s32 $0xFFFFF800  }
0x3c: {  	[tilespmem:s14], [sflag:$0x2] =	stream.indirect.gather [hbm4b:s4+s13], $0x10, s15, s13, $0xb8;
	[tilespmem:$0x1D700] =	vst v63  }
0x3d: {  	s17 =	rddreg [dreg:$0x5];
	s15 =	simm.s32 $0x1800  }
0x3e: {  	[tilespmem:s15], [sflag:$0x3] =	stream.indirect.gather [hbm4b:s4+s13], $0x10, s17, s13, $0xb8;
	[tilespmem:$0x1D700] =	vst v63  }
0x3f: {  	s18 =	rddreg [dreg:$0x6];
	s16 =	simm.s32 $0x2000  }
0x40: {  	[tilespmem:s16], [sflag:$0x4] =	stream.indirect.gather [hbm4b:s4+s13], $0x10, s18, s13, $0xb8;
	[tilespmem:$0x1D700] =	vst v63  }
0x41: {  	s20 =	rddreg [dreg:$0x7];
	s17 =	simm.s32 $0x2800  }
0x42: {  	[tilespmem:s17], [sflag:$0x5] =	stream.indirect.gather [hbm4b:s4+s13], $0x10, s20, s13, $0xb8;
	[tilespmem:$0x1D700] =	vst v63  }
0x43: {  	s12 =	rddreg [dreg:$0x8];
	s18 =	simm.s32 $0x3000  }
0x44: {  	[tilespmem:s18], [sflag:$0x6] =	stream.indirect.gather [hbm4b:s4+s13], $0x10, s12, s13, $0xb8;
	[tilespmem:$0x1D700] =	vst v63  }
0x45: {  	_ =	swait.ge [sflag:s19], $0x800  }
0x46: {  	[sflag:s19] =	ssyncset.done $0x0  }
0x47: {  	[sflag:s19] =	ssyncadd.s32 $0xFFFFF800  }
0x48: {  	[spmem:s2] =	stream.indirect.scatter.add.f32 [tilespmem:s14], [sflag:$0xA], $0x10, s11, s13, $0xb8;
	[tilespmem:$0x1D700] =	vst v63  }
0x49: {  	s20 =	rddreg [dreg:$0x9];
	s11 =	simm.s32 $0x3800  }
0x4a: {  	[tilespmem:s11], [sflag:$0x7] =	stream.indirect.gather [hbm4b:s4+s13], $0x10, s20, s13, $0xb8;
	[tilespmem:$0x1D700] =	vst v63  }
0x4b: {  	_ =	swait.ge [sflag:s21], $0x800  }
0x4c: {  	[sflag:s21] =	ssyncset.done $0x0  }
0x4d: {  	[sflag:s21] =	ssyncadd.s32 $0xFFFFF800  }
0x4e: {  	[spmem:s2] =	stream.indirect.scatter.add.f32 [tilespmem:s15], [sflag:$0xB], $0x10, s13, s13, $0xb8;
	[tilespmem:$0x1D700] =	vst v63  }
0x4f: {  	s20 =	simm.s32 $0x4000;
	s10 =	rddreg [dreg:$0xa]  }
0x50: {  	[tilespmem:s20], [sflag:$0x8] =	stream.indirect.gather [hbm4b:s4+s13], $0x10, s10, s13, $0xb8;
	[tilespmem:$0x1D700] =	vst v63  }
0x51: {  	_ =	swait.ge [sflag:s23], $0x800  }
0x52: {  	[sflag:s23] =	ssyncset.done $0x0  }
0x53: {  	s12 =	rddreg [dreg:$0xb];
	[sflag:s23] =	ssyncadd.s32 $0xFFFFF800  }
0x54: {  	[spmem:s2] =	stream.indirect.scatter.add.f32 [tilespmem:s16], [sflag:$0xC], $0x10, s12, s13, $0xb8;
	[tilespmem:$0x1D700] =	vst v63  }
0x55: {  	s10 =	rddreg [dreg:$0xc];
	s12 =	simm.s32 $0x4800  }
0x56: {  	[tilespmem:s12], [sflag:$0x9] =	stream.indirect.gather [hbm4b:s4+s13], $0x10, s10, s13, $0xb8;
	[tilespmem:$0x1D700] =	vst v63  }
0x57: {  	_ =	swait.ge [sflag:s25], $0x800  }
0x58: {  	[sflag:s25] =	ssyncset.done $0x0  }
0x59: {  	s10 =	rddreg [dreg:$0xd];
	[sflag:s25] =	ssyncadd.s32 $0xFFFFF800  }
0x5a: {  	[spmem:s2] =	stream.indirect.scatter.add.f32 [tilespmem:s17], [sflag:$0xD], $0x10, s10, s13, $0xb8;
	[tilespmem:$0x1D700] =	vst v63  }
0x5b: {  	_ =	swait.ge [sflag:s26], $0x800  }
0x5c: {  	[sflag:s26] =	ssyncset.done $0x0  }
0x5d: {  	s10 =	rddreg [dreg:$0xe];
	[sflag:s26] =	ssyncadd.s32 $0xFFFFF800  }
0x5e: {  	[tilespmem:s14], [sflag:$0x2] =	stream.indirect.gather [hbm4b:s4+s13], $0x10, s10, s13, $0xb8;
	[tilespmem:$0x1D700] =	vst v63  }
0x5f: {  	_ =	swait.ge [sflag:s28], $0x800  }
0x60: {  	[sflag:s28] =	ssyncset.done $0x0  }
0x61: {  	s10 =	rddreg [dreg:$0xf];
	[sflag:s28] =	ssyncadd.s32 $0xFFFFF800  }
0x62: {  	[spmem:s2] =	stream.indirect.scatter.add.f32 [tilespmem:s18], [sflag:$0xE], $0x10, s10, s13, $0xb8;
	[tilespmem:$0x1D700] =	vst v63  }
0x63: {  	_ =	swait.ge [sflag:s29], $0x800  }
0x64: {  	[sflag:s29] =	ssyncset.done $0x0  }
0x65: {  	s10 =	rddreg [dreg:$0x10];
	[sflag:s29] =	ssyncadd.s32 $0xFFFFF800  }
0x66: {  	[tilespmem:s15], [sflag:$0x3] =	stream.indirect.gather [hbm4b:s4+s13], $0x10, s10, s13, $0xb8;
	[tilespmem:$0x1D700] =	vst v63  }
0x67: {  	_ =	swait.ge [sflag:s30], $0x800  }
0x68: {  	[sflag:s30] =	ssyncset.done $0x0  }
0x69: {  	s10 =	rddreg [dreg:$0x11];
	[sflag:s30] =	ssyncadd.s32 $0xFFFFF800  }
0x6a: {  	[spmem:s2] =	stream.indirect.scatter.add.f32 [tilespmem:s11], [sflag:$0xF], $0x10, s10, s13, $0xb8;
	[tilespmem:$0x1D700] =	vst v63  }
0x6b: {  	_ =	swait.ge [sflag:s31], $0x800  }
0x6c: {  	[sflag:s31] =	ssyncset.done $0x0  }
0x6d: {  	s10 =	rddreg [dreg:$0x12];
	[sflag:s31] =	ssyncadd.s32 $0xFFFFF800  }
0x6e: {  	[tilespmem:s16], [sflag:$0x4] =	stream.indirect.gather [hbm4b:s4+s13], $0x10, s10, s13, $0xb8;
	[tilespmem:$0x1D700] =	vst v63  }
0x6f: {  	_ =	swait.ge [sflag:s1], $0x800  }
0x70: {  	[sflag:s1] =	ssyncset.done $0x0  }
0x71: {  	s10 =	rddreg [dreg:$0x13];
	[sflag:s1] =	ssyncadd.s32 $0xFFFFF800  }
0x72: {  	[spmem:s2] =	stream.indirect.scatter.add.f32 [tilespmem:s20], [sflag:$0x10], $0x10, s10, s13, $0xb8;
	[tilespmem:$0x1D700] =	vst v63  }
0x73: {  	_ =	swait.ge [sflag:s0], $0x800  }
0x74: {  	[sflag:s0] =	ssyncset.done $0x0  }
0x75: {  	s10 =	rddreg [dreg:$0x14];
	[sflag:s0] =	ssyncadd.s32 $0xFFFFF800  }
0x76: {  	[tilespmem:s17], [sflag:$0x5] =	stream.indirect.gather [hbm4b:s4+s13], $0x10, s10, s13, $0xb8;
	[tilespmem:$0x1D700] =	vst v63  }
0x77: {  	_ =	swait.ge [sflag:s5], $0x800  }
0x78: {  	[sflag:s5] =	ssyncset.done $0x0  }
0x79: {  	s10 =	rddreg [dreg:$0x15];
	[sflag:s5] =	ssyncadd.s32 $0xFFFFF800  }
0x7a: {  	[spmem:s2] =	stream.indirect.scatter.add.f32 [tilespmem:s12], [sflag:$0x11], $0x10, s10, s13, $0xb8;
	[tilespmem:$0x1D700] =	vst v63  }
0x7b: {  	_ =	swait.ge [sflag:s7], $0x800  }
0x7c: {  	[sflag:s7] =	ssyncset.done $0x0  }
0x7d: {  	s10 =	rddreg [dreg:$0x16];
	[sflag:s7] =	ssyncadd.s32 $0xFFFFF800  }
0x7e: {  	[tilespmem:s18], [sflag:$0x6] =	stream.indirect.gather [hbm4b:s4+s13], $0x10, s10, s13, $0xb8;
	[tilespmem:$0x1D700] =	vst v63  }
0x7f: {  	_ =	swait.ge [sflag:s19], $0x800  }
0x80: {  	[sflag:s19] =	ssyncset.done $0x0  }
0x81: {  	s10 =	rddreg [dreg:$0x17];
	[sflag:s19] =	ssyncadd.s32 $0xFFFFF800  }
0x82: {  	[spmem:s2] =	stream.indirect.scatter.add.f32 [tilespmem:s14], [sflag:$0xA], $0x10, s10, s13, $0xb8;
	[tilespmem:$0x1D700] =	vst v63  }
0x83: {  	_ =	swait.ge [sflag:s8], $0x800  }
0x84: {  	[sflag:s8] =	ssyncset.done $0x0  }
0x85: {  	s10 =	rddreg [dreg:$0x18];
	[sflag:s8] =	ssyncadd.s32 $0xFFFFF800  }
0x86: {  	[tilespmem:s11], [sflag:$0x7] =	stream.indirect.gather [hbm4b:s4+s13], $0x10, s10, s13, $0xb8;
	[tilespmem:$0x1D700] =	vst v63  }
0x87: {  	_ =	swait.ge [sflag:s21], $0x800  }
0x88: {  	[sflag:s21] =	ssyncset.done $0x0  }
0x89: {  	s14 =	rddreg [dreg:$0x19];
	[sflag:s21] =	ssyncadd.s32 $0xFFFFF800  }
0x8a: {  	[spmem:s2] =	stream.indirect.scatter.add.f32 [tilespmem:s15], [sflag:$0xB], $0x10, s14, s13, $0xb8;
	[tilespmem:$0x1D700] =	vst v63  }
0x8b: {  	_ =	swait.ge [sflag:s6], $0x800  }
0x8c: {  	[sflag:s6] =	ssyncset.done $0x0  }
0x8d: {  	s15 =	rddreg [dreg:$0x1a];
	[sflag:s6] =	ssyncadd.s32 $0xFFFFF800  }
0x8e: {  	[tilespmem:s20], [sflag:$0x8] =	stream.indirect.gather [hbm4b:s4+s13], $0x10, s15, s13, $0xb8;
	[tilespmem:$0x1D700] =	vst v63  }
0x8f: {  	_ =	swait.ge [sflag:s23], $0x800  }
0x90: {  	[sflag:s23] =	ssyncset.done $0x0  }
0x91: {  	s10 =	rddreg [dreg:$0x1b];
	[sflag:s23] =	ssyncadd.s32 $0xFFFFF800  }
0x92: {  	[spmem:s2] =	stream.indirect.scatter.add.f32 [tilespmem:s16], [sflag:$0xC], $0x10, s10, s13, $0xb8;
	[tilespmem:$0x1D700] =	vst v63  }
0x93: {  	_ =	swait.ge [sflag:s9], $0x800  }
0x94: {  	[sflag:s9] =	ssyncset.done $0x0  }
0x95: {  	s14 =	rddreg [dreg:$0x1c];
	[sflag:s9] =	ssyncadd.s32 $0xFFFFF800  }
0x96: {  	[tilespmem:s12], [sflag:$0x9] =	stream.indirect.gather [hbm4b:s4+s13], $0x10, s14, s13, $0xb8;
	[tilespmem:$0x1D700] =	vst v63  }
0x97: {  	_ =	swait.ge [sflag:s25], $0x800  }
0x98: {  	[sflag:s25] =	ssyncset.done $0x0  }
0x99: {  	s15 =	rddreg [dreg:$0x1d];
	[sflag:s25] =	ssyncadd.s32 $0xFFFFF800  }
0x9a: {  	[spmem:s2] =	stream.indirect.scatter.add.f32 [tilespmem:s17], [sflag:$0xD], $0x10, s15, s13, $0xb8;
	[tilespmem:$0x1D700] =	vst v63  }
0x9b: {  	_ =	swait.ge [sflag:s28], $0x800  }
0x9c: {  	[sflag:s28] =	ssyncset.done $0x0  }
0x9d: {  	s16 =	rddreg [dreg:$0x1e];
	[sflag:s28] =	ssyncadd.s32 $0xFFFFF800  }
0x9e: {  	[spmem:s2] =	stream.indirect.scatter.add.f32 [tilespmem:s18], [sflag:$0xE], $0x10, s16, s13, $0xb8;
	[tilespmem:$0x1D700] =	vst v63  }
0x9f: {  	_ =	swait.ge [sflag:s30], $0x800  }
0xa0: {  	[sflag:s30] =	ssyncset.done $0x0  }
0xa1: {  	s17 =	rddreg [dreg:$0x1f];
	[sflag:s30] =	ssyncadd.s32 $0xFFFFF800  }
0xa2: {  	[spmem:s2] =	stream.indirect.scatter.add.f32 [tilespmem:s11], [sflag:$0xF], $0x10, s17, s13, $0xb8;
	[tilespmem:$0x1D700] =	vst v63  }
0xa3: {  	_ =	swait.ge [sflag:s1], $0x800  }
0xa4: {  	s18 =	sld [smem:$0x7FA]  }
0xa5: {  	[sflag:s1] =	ssyncset.done $0x0  }
0xa6: {  	[sflag:s1] =	ssyncadd.s32 $0xFFFFF800  }
0xa7: {  	[spmem:s2] =	stream.indirect.scatter.add.f32 [tilespmem:s20], [sflag:$0x10], $0x10, s18, s13, $0xb8;
	[tilespmem:$0x1D700] =	vst v63  }
0xa8: {  	_ =	swait.ge [sflag:s5], $0x800  }
0xa9: {  	s20 =	sld [smem:$0x7FB]  }
0xaa: {  	[sflag:s5] =	ssyncset.done $0x0  }
0xab: {  	[sflag:s5] =	ssyncadd.s32 $0xFFFFF800  }
0xac: {  	[spmem:s2] =	stream.indirect.scatter.add.f32 [tilespmem:s12], [sflag:$0x11], $0x10, s20, s13, $0xb8;
	[tilespmem:$0x1D700] =	vst v63  }
0xad: {  	_ =	swait.ge [sflag:s26], $0x800  }
0xae: {  	[sflag:s26] =	ssyncset.done $0x0  }
0xaf: {  	[sflag:s26] =	ssyncadd.s32 $0xFFFFF800  }
0xb0: {  	_ =	swait.ge [sflag:s29], $0x800  }
0xb1: {  	[sflag:s29] =	ssyncset.done $0x0  }
0xb2: {  	[sflag:s29] =	ssyncadd.s32 $0xFFFFF800  }
0xb3: {  	_ =	swait.ge [sflag:s31], $0x800  }
0xb4: {  	[sflag:s31] =	ssyncset.done $0x0  }
0xb5: {  	[sflag:s31] =	ssyncadd.s32 $0xFFFFF800  }
0xb6: {  	_ =	swait.ge [sflag:s0], $0x800  }
0xb7: {  	[sflag:s0] =	ssyncset.done $0x0  }
0xb8: {  	[sflag:s0] =	ssyncadd.s32 $0xFFFFF800  }
0xb9: {  	_ =	swait.ge [sflag:s7], $0x800  }
0xba: {  	[sflag:s7] =	ssyncset.done $0x0  }
0xbb: {  	[sflag:s7] =	ssyncadd.s32 $0xFFFFF800  }
0xbc: {  	_ =	swait.ge [sflag:s8], $0x800  }
0xbd: {  	[sflag:s8] =	ssyncset.done $0x0  }
0xbe: {  	[sflag:s8] =	ssyncadd.s32 $0xFFFFF800  }
0xbf: {  	_ =	swait.ge [sflag:s6], $0x800  }
0xc0: {  	[sflag:s6] =	ssyncset.done $0x0  }
0xc1: {  	[sflag:s6] =	ssyncadd.s32 $0xFFFFF800  }
0xc2: {  	s10 =	simm.s32 $0x100;
	_ =	swait.ge [sflag:s9], $0x800  }
0xc3: {  	s11 =	simm.s32 $0x200;
	s3 =	rddreg [dreg:$0x4];
	[sflag:s9] =	ssyncset.done $0x0  }
.LBB2_2:
0xc4: {  	[sflag:s9] =	ssyncadd.s32 $0xFFFFF800  }
0xc5: {  	s15 =	rddreg [dreg:$0x3];
	s3 =	sadd.s32 s10, s3;
	s16 =	simm.s32 $0x0  }
0xc6: {  	[tilespmem:s16], [sflag:$0x1] =	stream.linear.gather [hbm4b:s3+s16], $0x800, $0x38;
	[tilespmem:$0x1D700] =	vst v63  }
0xc7: {  	s12 =	simm.s32 $0x800;
	s17 =	simm.s32 $0x1;
	s20 =	sadd.s32 s10, s15  }
0xc8: {  	[tilespmem:s12], [sflag:$0x1] =	stream.linear.gather [hbm4b:s20+s16], $0x800, $0x38;
	[tilespmem:$0x1D700] =	vst v63  }
0xc9: {  	_ =	swait.ge [sflag:s17], $0x800  }
0xca: {  	[sflag:s17] =	ssyncset.done $0x0  }
0xcb: {  	[sflag:s17] =	ssyncadd.s32 $0xFFFFF800  }
0xcc: {  	_ =	swait.ge [sflag:s17], $0x800  }
0xcd: {  	[sflag:s17] =	ssyncset.done $0x0  }
0xce: {  	s15 =	simm.s32 $0x1000;
	[sflag:s17] =	ssyncadd.s32 $0xFFFFF800  }
0xcf: {  	[tilespmem:s15], [sflag:$0x2] =	stream.indirect.gather [hbm4b:s4+s13], $0x10, s12, s13, $0xb8;
	[tilespmem:$0x1D700] =	vst v63  }
0xd0: {  	s18 =	rddreg [dreg:$0x5];
	s17 =	simm.s32 $0x1800  }
0xd1: {  	[tilespmem:s17], [sflag:$0x3] =	stream.indirect.gather [hbm4b:s4+s13], $0x10, s18, s13, $0xb8;
	[tilespmem:$0x1D700] =	vst v63  }
0xd2: {  	s20 =	rddreg [dreg:$0x6];
	s18 =	simm.s32 $0x2000  }
0xd3: {  	[tilespmem:s18], [sflag:$0x4] =	stream.indirect.gather [hbm4b:s4+s13], $0x10, s20, s13, $0xb8;
	[tilespmem:$0x1D700] =	vst v63  }
0xd4: {  	s3 =	rddreg [dreg:$0x7];
	s20 =	simm.s32 $0x2800  }
0xd5: {  	[tilespmem:s20], [sflag:$0x5] =	stream.indirect.gather [hbm4b:s4+s13], $0x10, s3, s13, $0xb8;
	[tilespmem:$0x1D700] =	vst v63  }
0xd6: {  	s12 =	rddreg [dreg:$0x8]  }
0xd7: {  	[tilespmem:s22], [sflag:$0x6] =	stream.indirect.gather [hbm4b:s4+s13], $0x10, s12, s13, $0xb8;
	[tilespmem:$0x1D700] =	vst v63  }
0xd8: {  	_ =	swait.ge [sflag:s19], $0x800  }
0xd9: {  	[sflag:s19] =	ssyncset.done $0x0  }
0xda: {  	[sflag:s19] =	ssyncadd.s32 $0xFFFFF800  }
0xdb: {  	[spmem:s2] =	stream.indirect.scatter.add.f32 [tilespmem:s15], [sflag:$0xA], $0x10, s16, s13, $0xb8;
	[tilespmem:$0x1D700] =	vst v63  }
0xdc: {  	s12 =	rddreg [dreg:$0x9];
	s16 =	simm.s32 $0x3800  }
0xdd: {  	[tilespmem:s16], [sflag:$0x7] =	stream.indirect.gather [hbm4b:s4+s13], $0x10, s12, s13, $0xb8;
	[tilespmem:$0x1D700] =	vst v63  }
0xde: {  	_ =	swait.ge [sflag:s21], $0x800  }
0xdf: {  	[sflag:s21] =	ssyncset.done $0x0  }
0xe0: {  	s14 =	smov.u32 s11;
	[sflag:s21] =	ssyncadd.s32 $0xFFFFF800  }
0xe1: {  	[spmem:s2] =	stream.indirect.scatter.add.f32 [tilespmem:s17], [sflag:$0xB], $0x10, s13, s13, $0xb8;
	[tilespmem:$0x1D700] =	vst v63  }
0xe2: {  	s10 =	smov.u32 s14;
	s14 =	rddreg [dreg:$0xa]  }
0xe3: {  	[tilespmem:s24], [sflag:$0x8] =	stream.indirect.gather [hbm4b:s4+s13], $0x10, s14, s13, $0xb8;
	[tilespmem:$0x1D700] =	vst v63  }
0xe4: {  	_ =	swait.ge [sflag:s23], $0x800  }
0xe5: {  	[sflag:s23] =	ssyncset.done $0x0  }
0xe6: {  	s12 =	rddreg [dreg:$0xb];
	[sflag:s23] =	ssyncadd.s32 $0xFFFFF800  }
0xe7: {  	[spmem:s2] =	stream.indirect.scatter.add.f32 [tilespmem:s18], [sflag:$0xC], $0x10, s12, s13, $0xb8;
	[tilespmem:$0x1D700] =	vst v63  }
0xe8: {  	s14 =	rddreg [dreg:$0xc];
	s12 =	simm.s32 $0x4800  }
0xe9: {  	[tilespmem:s12], [sflag:$0x9] =	stream.indirect.gather [hbm4b:s4+s13], $0x10, s14, s13, $0xb8;
	[tilespmem:$0x1D700] =	vst v63  }
0xea: {  	_ =	swait.ge [sflag:s25], $0x800  }
0xeb: {  	[sflag:s25] =	ssyncset.done $0x0  }
0xec: {  	s14 =	rddreg [dreg:$0xd];
	[sflag:s25] =	ssyncadd.s32 $0xFFFFF800  }
0xed: {  	[spmem:s2] =	stream.indirect.scatter.add.f32 [tilespmem:s20], [sflag:$0xD], $0x10, s14, s13, $0xb8;
	[tilespmem:$0x1D700] =	vst v63  }
0xee: {  	_ =	swait.ge [sflag:s26], $0x800  }
0xef: {  	[sflag:s26] =	ssyncset.done $0x0  }
0xf0: {  	s14 =	rddreg [dreg:$0xe];
	[sflag:s26] =	ssyncadd.s32 $0xFFFFF800  }
0xf1: {  	[tilespmem:s15], [sflag:$0x2] =	stream.indirect.gather [hbm4b:s4+s13], $0x10, s14, s13, $0xb8;
	[tilespmem:$0x1D700] =	vst v63  }
0xf2: {  	_ =	swait.ge [sflag:s28], $0x800  }
0xf3: {  	[sflag:s28] =	ssyncset.done $0x0  }
0xf4: {  	s14 =	rddreg [dreg:$0xf];
	[sflag:s28] =	ssyncadd.s32 $0xFFFFF800  }
0xf5: {  	[spmem:s2] =	stream.indirect.scatter.add.f32 [tilespmem:s22], [sflag:$0xE], $0x10, s14, s13, $0xb8;
	[tilespmem:$0x1D700] =	vst v63  }
0xf6: {  	_ =	swait.ge [sflag:s29], $0x800  }
0xf7: {  	[sflag:s29] =	ssyncset.done $0x0  }
0xf8: {  	s14 =	rddreg [dreg:$0x10];
	[sflag:s29] =	ssyncadd.s32 $0xFFFFF800  }
0xf9: {  	[tilespmem:s17], [sflag:$0x3] =	stream.indirect.gather [hbm4b:s4+s13], $0x10, s14, s13, $0xb8;
	[tilespmem:$0x1D700] =	vst v63  }
0xfa: {  	_ =	swait.ge [sflag:s30], $0x800  }
0xfb: {  	[sflag:s30] =	ssyncset.done $0x0  }
0xfc: {  	s14 =	rddreg [dreg:$0x11];
	[sflag:s30] =	ssyncadd.s32 $0xFFFFF800  }
0xfd: {  	[spmem:s2] =	stream.indirect.scatter.add.f32 [tilespmem:s16], [sflag:$0xF], $0x10, s14, s13, $0xb8;
	[tilespmem:$0x1D700] =	vst v63  }
0xfe: {  	_ =	swait.ge [sflag:s31], $0x800  }
0xff: {  	[sflag:s31] =	ssyncset.done $0x0  }
0x100: {  	s14 =	rddreg [dreg:$0x12];
	[sflag:s31] =	ssyncadd.s32 $0xFFFFF800  }
0x101: {  	[tilespmem:s18], [sflag:$0x4] =	stream.indirect.gather [hbm4b:s4+s13], $0x10, s14, s13, $0xb8;
	[tilespmem:$0x1D700] =	vst v63  }
0x102: {  	_ =	swait.ge [sflag:s1], $0x800  }
0x103: {  	[sflag:s1] =	ssyncset.done $0x0  }
0x104: {  	s14 =	rddreg [dreg:$0x13];
	[sflag:s1] =	ssyncadd.s32 $0xFFFFF800  }
0x105: {  	[spmem:s2] =	stream.indirect.scatter.add.f32 [tilespmem:s24], [sflag:$0x10], $0x10, s14, s13, $0xb8;
	[tilespmem:$0x1D700] =	vst v63  }
0x106: {  	_ =	swait.ge [sflag:s0], $0x800  }
0x107: {  	[sflag:s0] =	ssyncset.done $0x0  }
0x108: {  	s14 =	rddreg [dreg:$0x14];
	[sflag:s0] =	ssyncadd.s32 $0xFFFFF800  }
0x109: {  	[tilespmem:s20], [sflag:$0x5] =	stream.indirect.gather [hbm4b:s4+s13], $0x10, s14, s13, $0xb8;
	[tilespmem:$0x1D700] =	vst v63  }
0x10a: {  	_ =	swait.ge [sflag:s5], $0x800  }
0x10b: {  	[sflag:s5] =	ssyncset.done $0x0  }
0x10c: {  	s14 =	rddreg [dreg:$0x15];
	[sflag:s5] =	ssyncadd.s32 $0xFFFFF800  }
0x10d: {  	[spmem:s2] =	stream.indirect.scatter.add.f32 [tilespmem:s12], [sflag:$0x11], $0x10, s14, s13, $0xb8;
	[tilespmem:$0x1D700] =	vst v63  }
0x10e: {  	_ =	swait.ge [sflag:s7], $0x800  }
0x10f: {  	[sflag:s7] =	ssyncset.done $0x0  }
0x110: {  	s14 =	rddreg [dreg:$0x16];
	[sflag:s7] =	ssyncadd.s32 $0xFFFFF800  }
0x111: {  	[tilespmem:s22], [sflag:$0x6] =	stream.indirect.gather [hbm4b:s4+s13], $0x10, s14, s13, $0xb8;
	[tilespmem:$0x1D700] =	vst v63  }
0x112: {  	_ =	swait.ge [sflag:s19], $0x800  }
0x113: {  	[sflag:s19] =	ssyncset.done $0x0  }
0x114: {  	s14 =	rddreg [dreg:$0x17];
	[sflag:s19] =	ssyncadd.s32 $0xFFFFF800  }
0x115: {  	[spmem:s2] =	stream.indirect.scatter.add.f32 [tilespmem:s15], [sflag:$0xA], $0x10, s14, s13, $0xb8;
	[tilespmem:$0x1D700] =	vst v63  }
0x116: {  	_ =	swait.ge [sflag:s8], $0x800  }
0x117: {  	[sflag:s8] =	ssyncset.done $0x0  }
0x118: {  	s15 =	rddreg [dreg:$0x18];
	[sflag:s8] =	ssyncadd.s32 $0xFFFFF800  }
0x119: {  	[tilespmem:s16], [sflag:$0x7] =	stream.indirect.gather [hbm4b:s4+s13], $0x10, s15, s13, $0xb8;
	[tilespmem:$0x1D700] =	vst v63  }
0x11a: {  	_ =	swait.ge [sflag:s21], $0x800  }
0x11b: {  	[sflag:s21] =	ssyncset.done $0x0  }
0x11c: {  	s14 =	rddreg [dreg:$0x19];
	[sflag:s21] =	ssyncadd.s32 $0xFFFFF800  }
0x11d: {  	[spmem:s2] =	stream.indirect.scatter.add.f32 [tilespmem:s17], [sflag:$0xB], $0x10, s14, s13, $0xb8;
	[tilespmem:$0x1D700] =	vst v63  }
0x11e: {  	_ =	swait.ge [sflag:s6], $0x800  }
0x11f: {  	[sflag:s6] =	ssyncset.done $0x0  }
0x120: {  	s15 =	rddreg [dreg:$0x1a];
	[sflag:s6] =	ssyncadd.s32 $0xFFFFF800  }
0x121: {  	[tilespmem:s24], [sflag:$0x8] =	stream.indirect.gather [hbm4b:s4+s13], $0x10, s15, s13, $0xb8;
	[tilespmem:$0x1D700] =	vst v63  }
0x122: {  	_ =	swait.ge [sflag:s23], $0x800  }
0x123: {  	[sflag:s23] =	ssyncset.done $0x0  }
0x124: {  	s17 =	rddreg [dreg:$0x1b];
	[sflag:s23] =	ssyncadd.s32 $0xFFFFF800  }
0x125: {  	[spmem:s2] =	stream.indirect.scatter.add.f32 [tilespmem:s18], [sflag:$0xC], $0x10, s17, s13, $0xb8;
	[tilespmem:$0x1D700] =	vst v63  }
0x126: {  	_ =	swait.ge [sflag:s9], $0x800  }
0x127: {  	[sflag:s9] =	ssyncset.done $0x0  }
0x128: {  	s18 =	rddreg [dreg:$0x1c];
	[sflag:s9] =	ssyncadd.s32 $0xFFFFF800  }
0x129: {  	[tilespmem:s12], [sflag:$0x9] =	stream.indirect.gather [hbm4b:s4+s13], $0x10, s18, s13, $0xb8;
	[tilespmem:$0x1D700] =	vst v63  }
0x12a: {  	_ =	swait.ge [sflag:s25], $0x800  }
0x12b: {  	[sflag:s25] =	ssyncset.done $0x0  }
0x12c: {  	s14 =	rddreg [dreg:$0x1d];
	[sflag:s25] =	ssyncadd.s32 $0xFFFFF800  }
0x12d: {  	[spmem:s2] =	stream.indirect.scatter.add.f32 [tilespmem:s20], [sflag:$0xD], $0x10, s14, s13, $0xb8;
	[tilespmem:$0x1D700] =	vst v63  }
0x12e: {  	_ =	swait.ge [sflag:s28], $0x800  }
0x12f: {  	[sflag:s28] =	ssyncset.done $0x0  }
0x130: {  	s15 =	rddreg [dreg:$0x1e];
	[sflag:s28] =	ssyncadd.s32 $0xFFFFF800  }
0x131: {  	[spmem:s2] =	stream.indirect.scatter.add.f32 [tilespmem:s22], [sflag:$0xE], $0x10, s15, s13, $0xb8;
	[tilespmem:$0x1D700] =	vst v63  }
0x132: {  	_ =	swait.ge [sflag:s30], $0x800  }
0x133: {  	[sflag:s30] =	ssyncset.done $0x0  }
0x134: {  	s17 =	rddreg [dreg:$0x1f];
	[sflag:s30] =	ssyncadd.s32 $0xFFFFF800  }
0x135: {  	[spmem:s2] =	stream.indirect.scatter.add.f32 [tilespmem:s16], [sflag:$0xF], $0x10, s17, s13, $0xb8;
	[tilespmem:$0x1D700] =	vst v63  }
0x136: {  	_ =	swait.ge [sflag:s1], $0x800  }
0x137: {  	s18 =	sld [smem:$0x7FA]  }
0x138: {  	[sflag:s1] =	ssyncset.done $0x0  }
0x139: {  	[sflag:s1] =	ssyncadd.s32 $0xFFFFF800  }
0x13a: {  	[spmem:s2] =	stream.indirect.scatter.add.f32 [tilespmem:s24], [sflag:$0x10], $0x10, s18, s13, $0xb8;
	[tilespmem:$0x1D700] =	vst v63  }
0x13b: {  	_ =	swait.ge [sflag:s5], $0x800  }
0x13c: {  	s20 =	sld [smem:$0x7FB]  }
0x13d: {  	[sflag:s5] =	ssyncset.done $0x0  }
0x13e: {  	[sflag:s5] =	ssyncadd.s32 $0xFFFFF800  }
0x13f: {  	[spmem:s2] =	stream.indirect.scatter.add.f32 [tilespmem:s12], [sflag:$0x11], $0x10, s20, s13, $0xb8;
	[tilespmem:$0x1D700] =	vst v63  }
0x140: {  	_ =	swait.ge [sflag:s26], $0x800  }
0x141: {  	[sflag:s26] =	ssyncset.done $0x0  }
0x142: {  	[sflag:s26] =	ssyncadd.s32 $0xFFFFF800  }
0x143: {  	_ =	swait.ge [sflag:s29], $0x800  }
0x144: {  	[sflag:s29] =	ssyncset.done $0x0  }
0x145: {  	[sflag:s29] =	ssyncadd.s32 $0xFFFFF800  }
0x146: {  	_ =	swait.ge [sflag:s31], $0x800  }
0x147: {  	[sflag:s31] =	ssyncset.done $0x0  }
0x148: {  	[sflag:s31] =	ssyncadd.s32 $0xFFFFF800  }
0x149: {  	_ =	swait.ge [sflag:s0], $0x800  }
0x14a: {  	[sflag:s0] =	ssyncset.done $0x0  }
0x14b: {  	[sflag:s0] =	ssyncadd.s32 $0xFFFFF800  }
0x14c: {  	_ =	swait.ge [sflag:s7], $0x800  }
0x14d: {  	[sflag:s7] =	ssyncset.done $0x0  }
0x14e: {  	[sflag:s7] =	ssyncadd.s32 $0xFFFFF800  }
0x14f: {  	_ =	swait.ge [sflag:s8], $0x800  }
0x150: {  	[sflag:s8] =	ssyncset.done $0x0  }
0x151: {  	p0 =	sne.s32 s11, $0x3000;
	[sflag:s8] =	ssyncadd.s32 $0xFFFFF800  }
.Ltmp0:
0x152: {  	_ =	swait.ge [sflag:s6], $0x800;
	(pc) =	sbr.rel @p0 .LBB2_2-.Ltmp0, $4  }
0x153: {  	[sflag:s6] =	ssyncset.done $0x0  }
0x154: {  	[sflag:s6] =	ssyncadd.s32 $0xFFFFF800  }
0x155: {  	_ =	swait.ge [sflag:s9], $0x800  }
0x156: {  	s11 =	sadd.s32 $0x100, s11;
	s3 =	rddreg [dreg:$0x4];
	[sflag:s9] =	ssyncset.done $0x0  }
0x157: {  	s11 =	rddreg [dreg:$0x3]  }
0x158: {  	[sflag:s9] =	ssyncadd.s32 $0xFFFFF800;
	s3 =	sadd.s32 s10, s3;
	s14 =	simm.s32 $0x0  }
0x159: {  	[tilespmem:s14], [sflag:$0x1] =	stream.linear.gather [hbm4b:s3+s14], $0x800, $0x38;
	[tilespmem:$0x1D700] =	vst v63  }
0x15a: {  	s15 =	simm.s32 $0x800;
	s16 =	simm.s32 $0x1;
	s12 =	sadd.s32 s10, s11  }
0x15b: {  	[tilespmem:s15], [sflag:$0x1] =	stream.linear.gather [hbm4b:s12+s14], $0x800, $0x38;
	[tilespmem:$0x1D700] =	vst v63  }
0x15c: {  	_ =	swait.ge [sflag:s16], $0x800  }
0x15d: {  	[sflag:s16] =	ssyncset.done $0x0  }
0x15e: {  	[sflag:s16] =	ssyncadd.s32 $0xFFFFF800  }
0x15f: {  	_ =	swait.ge [sflag:s16], $0x800  }
0x160: {  	[sflag:s16] =	ssyncset.done $0x0  }
0x161: {  	s11 =	simm.s32 $0x1000;
	[sflag:s16] =	ssyncadd.s32 $0xFFFFF800  }
0x162: {  	[tilespmem:s11], [sflag:$0x2] =	stream.indirect.gather [hbm4b:s4+s13], $0x10, s15, s13, $0xb8;
	[tilespmem:$0x1D700] =	vst v63  }
0x163: {  	s17 =	rddreg [dreg:$0x5];
	s15 =	simm.s32 $0x1800  }
0x164: {  	[tilespmem:s15], [sflag:$0x3] =	stream.indirect.gather [hbm4b:s4+s13], $0x10, s17, s13, $0xb8;
	[tilespmem:$0x1D700] =	vst v63  }
0x165: {  	s18 =	rddreg [dreg:$0x6];
	s16 =	simm.s32 $0x2000  }
0x166: {  	[tilespmem:s16], [sflag:$0x4] =	stream.indirect.gather [hbm4b:s4+s13], $0x10, s18, s13, $0xb8;
	[tilespmem:$0x1D700] =	vst v63  }
0x167: {  	s20 =	rddreg [dreg:$0x7];
	s17 =	simm.s32 $0x2800  }
0x168: {  	[tilespmem:s17], [sflag:$0x5] =	stream.indirect.gather [hbm4b:s4+s13], $0x10, s20, s13, $0xb8;
	[tilespmem:$0x1D700] =	vst v63  }
0x169: {  	s12 =	rddreg [dreg:$0x8];
	s18 =	simm.s32 $0x3000  }
0x16a: {  	[tilespmem:s18], [sflag:$0x6] =	stream.indirect.gather [hbm4b:s4+s13], $0x10, s12, s13, $0xb8;
	[tilespmem:$0x1D700] =	vst v63  }
0x16b: {  	_ =	swait.ge [sflag:s19], $0x800  }
0x16c: {  	[sflag:s19] =	ssyncset.done $0x0  }
0x16d: {  	[sflag:s19] =	ssyncadd.s32 $0xFFFFF800  }
0x16e: {  	[spmem:s2] =	stream.indirect.scatter.add.f32 [tilespmem:s11], [sflag:$0xA], $0x10, s14, s13, $0xb8;
	[tilespmem:$0x1D700] =	vst v63  }
0x16f: {  	s20 =	rddreg [dreg:$0x9];
	s14 =	simm.s32 $0x3800  }
0x170: {  	[tilespmem:s14], [sflag:$0x7] =	stream.indirect.gather [hbm4b:s4+s13], $0x10, s20, s13, $0xb8;
	[tilespmem:$0x1D700] =	vst v63  }
0x171: {  	_ =	swait.ge [sflag:s21], $0x800  }
0x172: {  	[sflag:s21] =	ssyncset.done $0x0  }
0x173: {  	[sflag:s21] =	ssyncadd.s32 $0xFFFFF800  }
0x174: {  	[spmem:s2] =	stream.indirect.scatter.add.f32 [tilespmem:s15], [sflag:$0xB], $0x10, s13, s13, $0xb8;
	[tilespmem:$0x1D700] =	vst v63  }
0x175: {  	s20 =	simm.s32 $0x4000;
	s10 =	rddreg [dreg:$0xa]  }
0x176: {  	[tilespmem:s20], [sflag:$0x8] =	stream.indirect.gather [hbm4b:s4+s13], $0x10, s10, s13, $0xb8;
	[tilespmem:$0x1D700] =	vst v63  }
0x177: {  	_ =	swait.ge [sflag:s23], $0x800  }
0x178: {  	[sflag:s23] =	ssyncset.done $0x0  }
0x179: {  	s12 =	rddreg [dreg:$0xb];
	[sflag:s23] =	ssyncadd.s32 $0xFFFFF800  }
0x17a: {  	[spmem:s2] =	stream.indirect.scatter.add.f32 [tilespmem:s16], [sflag:$0xC], $0x10, s12, s13, $0xb8;
	[tilespmem:$0x1D700] =	vst v63  }
0x17b: {  	s10 =	rddreg [dreg:$0xc];
	s12 =	simm.s32 $0x4800  }
0x17c: {  	[tilespmem:s12], [sflag:$0x9] =	stream.indirect.gather [hbm4b:s4+s13], $0x10, s10, s13, $0xb8;
	[tilespmem:$0x1D700] =	vst v63  }
0x17d: {  	_ =	swait.ge [sflag:s25], $0x800  }
0x17e: {  	[sflag:s25] =	ssyncset.done $0x0  }
0x17f: {  	s10 =	rddreg [dreg:$0xd];
	[sflag:s25] =	ssyncadd.s32 $0xFFFFF800  }
0x180: {  	[spmem:s2] =	stream.indirect.scatter.add.f32 [tilespmem:s17], [sflag:$0xD], $0x10, s10, s13, $0xb8;
	[tilespmem:$0x1D700] =	vst v63  }
0x181: {  	_ =	swait.ge [sflag:s26], $0x800  }
0x182: {  	[sflag:s26] =	ssyncset.done $0x0  }
0x183: {  	s10 =	rddreg [dreg:$0xe];
	[sflag:s26] =	ssyncadd.s32 $0xFFFFF800  }
0x184: {  	[tilespmem:s11], [sflag:$0x2] =	stream.indirect.gather [hbm4b:s4+s13], $0x10, s10, s13, $0xb8;
	[tilespmem:$0x1D700] =	vst v63  }
0x185: {  	_ =	swait.ge [sflag:s28], $0x800  }
0x186: {  	[sflag:s28] =	ssyncset.done $0x0  }
0x187: {  	s10 =	rddreg [dreg:$0xf];
	[sflag:s28] =	ssyncadd.s32 $0xFFFFF800  }
0x188: {  	[spmem:s2] =	stream.indirect.scatter.add.f32 [tilespmem:s18], [sflag:$0xE], $0x10, s10, s13, $0xb8;
	[tilespmem:$0x1D700] =	vst v63  }
0x189: {  	_ =	swait.ge [sflag:s29], $0x800  }
0x18a: {  	[sflag:s29] =	ssyncset.done $0x0  }
0x18b: {  	s10 =	rddreg [dreg:$0x10];
	[sflag:s29] =	ssyncadd.s32 $0xFFFFF800  }
0x18c: {  	[tilespmem:s15], [sflag:$0x3] =	stream.indirect.gather [hbm4b:s4+s13], $0x10, s10, s13, $0xb8;
	[tilespmem:$0x1D700] =	vst v63  }
0x18d: {  	_ =	swait.ge [sflag:s30], $0x800  }
0x18e: {  	[sflag:s30] =	ssyncset.done $0x0  }
0x18f: {  	s10 =	rddreg [dreg:$0x11];
	[sflag:s30] =	ssyncadd.s32 $0xFFFFF800  }
0x190: {  	[spmem:s2] =	stream.indirect.scatter.add.f32 [tilespmem:s14], [sflag:$0xF], $0x10, s10, s13, $0xb8;
	[tilespmem:$0x1D700] =	vst v63  }
0x191: {  	_ =	swait.ge [sflag:s31], $0x800  }
0x192: {  	[sflag:s31] =	ssyncset.done $0x0  }
0x193: {  	s10 =	rddreg [dreg:$0x12];
	[sflag:s31] =	ssyncadd.s32 $0xFFFFF800  }
0x194: {  	[tilespmem:s16], [sflag:$0x4] =	stream.indirect.gather [hbm4b:s4+s13], $0x10, s10, s13, $0xb8;
	[tilespmem:$0x1D700] =	vst v63  }
0x195: {  	_ =	swait.ge [sflag:s1], $0x800  }
0x196: {  	[sflag:s1] =	ssyncset.done $0x0  }
0x197: {  	s10 =	rddreg [dreg:$0x13];
	[sflag:s1] =	ssyncadd.s32 $0xFFFFF800  }
0x198: {  	[spmem:s2] =	stream.indirect.scatter.add.f32 [tilespmem:s20], [sflag:$0x10], $0x10, s10, s13, $0xb8;
	[tilespmem:$0x1D700] =	vst v63  }
0x199: {  	_ =	swait.ge [sflag:s0], $0x800  }
0x19a: {  	[sflag:s0] =	ssyncset.done $0x0  }
0x19b: {  	s10 =	rddreg [dreg:$0x14];
	[sflag:s0] =	ssyncadd.s32 $0xFFFFF800  }
0x19c: {  	[tilespmem:s17], [sflag:$0x5] =	stream.indirect.gather [hbm4b:s4+s13], $0x10, s10, s13, $0xb8;
	[tilespmem:$0x1D700] =	vst v63  }
0x19d: {  	_ =	swait.ge [sflag:s5], $0x800  }
0x19e: {  	[sflag:s5] =	ssyncset.done $0x0  }
0x19f: {  	s10 =	rddreg [dreg:$0x15];
	[sflag:s5] =	ssyncadd.s32 $0xFFFFF800  }
0x1a0: {  	[spmem:s2] =	stream.indirect.scatter.add.f32 [tilespmem:s12], [sflag:$0x11], $0x10, s10, s13, $0xb8;
	[tilespmem:$0x1D700] =	vst v63  }
0x1a1: {  	_ =	swait.ge [sflag:s7], $0x800  }
0x1a2: {  	[sflag:s7] =	ssyncset.done $0x0  }
0x1a3: {  	s10 =	rddreg [dreg:$0x16];
	[sflag:s7] =	ssyncadd.s32 $0xFFFFF800  }
0x1a4: {  	[tilespmem:s18], [sflag:$0x6] =	stream.indirect.gather [hbm4b:s4+s13], $0x10, s10, s13, $0xb8;
	[tilespmem:$0x1D700] =	vst v63  }
0x1a5: {  	_ =	swait.ge [sflag:s19], $0x800  }
0x1a6: {  	[sflag:s19] =	ssyncset.done $0x0  }
0x1a7: {  	s10 =	rddreg [dreg:$0x17];
	[sflag:s19] =	ssyncadd.s32 $0xFFFFF800  }
0x1a8: {  	[spmem:s2] =	stream.indirect.scatter.add.f32 [tilespmem:s11], [sflag:$0xA], $0x10, s10, s13, $0xb8;
	[tilespmem:$0x1D700] =	vst v63  }
0x1a9: {  	_ =	swait.ge [sflag:s8], $0x800  }
0x1aa: {  	[sflag:s8] =	ssyncset.done $0x0  }
0x1ab: {  	s10 =	rddreg [dreg:$0x18];
	[sflag:s8] =	ssyncadd.s32 $0xFFFFF800  }
0x1ac: {  	[tilespmem:s14], [sflag:$0x7] =	stream.indirect.gather [hbm4b:s4+s13], $0x10, s10, s13, $0xb8;
	[tilespmem:$0x1D700] =	vst v63  }
0x1ad: {  	_ =	swait.ge [sflag:s21], $0x800  }
0x1ae: {  	[sflag:s21] =	ssyncset.done $0x0  }
0x1af: {  	s11 =	rddreg [dreg:$0x19];
	[sflag:s21] =	ssyncadd.s32 $0xFFFFF800  }
0x1b0: {  	[spmem:s2] =	stream.indirect.scatter.add.f32 [tilespmem:s15], [sflag:$0xB], $0x10, s11, s13, $0xb8;
	[tilespmem:$0x1D700] =	vst v63  }
0x1b1: {  	_ =	swait.ge [sflag:s6], $0x800  }
0x1b2: {  	[sflag:s6] =	ssyncset.done $0x0  }
0x1b3: {  	s10 =	rddreg [dreg:$0x1a];
	[sflag:s6] =	ssyncadd.s32 $0xFFFFF800  }
0x1b4: {  	[tilespmem:s20], [sflag:$0x8] =	stream.indirect.gather [hbm4b:s4+s13], $0x10, s10, s13, $0xb8;
	[tilespmem:$0x1D700] =	vst v63  }
0x1b5: {  	_ =	swait.ge [sflag:s23], $0x800  }
0x1b6: {  	[sflag:s23] =	ssyncset.done $0x0  }
0x1b7: {  	s11 =	rddreg [dreg:$0x1b];
	[sflag:s23] =	ssyncadd.s32 $0xFFFFF800  }
0x1b8: {  	[spmem:s2] =	stream.indirect.scatter.add.f32 [tilespmem:s16], [sflag:$0xC], $0x10, s11, s13, $0xb8;
	[tilespmem:$0x1D700] =	vst v63  }
0x1b9: {  	_ =	swait.ge [sflag:s9], $0x800  }
0x1ba: {  	[sflag:s9] =	ssyncset.done $0x0  }
0x1bb: {  	s15 =	rddreg [dreg:$0x1c];
	[sflag:s9] =	ssyncadd.s32 $0xFFFFF800  }
0x1bc: {  	[tilespmem:s12], [sflag:$0x9] =	stream.indirect.gather [hbm4b:s4+s13], $0x10, s15, s13, $0xb8;
	[tilespmem:$0x1D700] =	vst v63  }
0x1bd: {  	_ =	swait.ge [sflag:s25], $0x800  }
0x1be: {  	[sflag:s25] =	ssyncset.done $0x0  }
0x1bf: {  	s16 =	rddreg [dreg:$0x1d];
	[sflag:s25] =	ssyncadd.s32 $0xFFFFF800  }
0x1c0: {  	[spmem:s2] =	stream.indirect.scatter.add.f32 [tilespmem:s17], [sflag:$0xD], $0x10, s16, s13, $0xb8;
	[tilespmem:$0x1D700] =	vst v63  }
0x1c1: {  	_ =	swait.ge [sflag:s28], $0x800  }
0x1c2: {  	[sflag:s28] =	ssyncset.done $0x0  }
0x1c3: {  	s10 =	rddreg [dreg:$0x1e];
	[sflag:s28] =	ssyncadd.s32 $0xFFFFF800  }
0x1c4: {  	[spmem:s2] =	stream.indirect.scatter.add.f32 [tilespmem:s18], [sflag:$0xE], $0x10, s10, s13, $0xb8;
	[tilespmem:$0x1D700] =	vst v63  }
0x1c5: {  	_ =	swait.ge [sflag:s30], $0x800  }
0x1c6: {  	[sflag:s30] =	ssyncset.done $0x0  }
0x1c7: {  	s11 =	rddreg [dreg:$0x1f];
	[sflag:s30] =	ssyncadd.s32 $0xFFFFF800  }
0x1c8: {  	[spmem:s2] =	stream.indirect.scatter.add.f32 [tilespmem:s14], [sflag:$0xF], $0x10, s11, s13, $0xb8;
	[tilespmem:$0x1D700] =	vst v63  }
0x1c9: {  	_ =	swait.ge [sflag:s1], $0x800  }
0x1ca: {  	s15 =	sld [smem:$0x7FA]  }
0x1cb: {  	[sflag:s1] =	ssyncset.done $0x0  }
0x1cc: {  	[sflag:s1] =	ssyncadd.s32 $0xFFFFF800  }
0x1cd: {  	[spmem:s2] =	stream.indirect.scatter.add.f32 [tilespmem:s20], [sflag:$0x10], $0x10, s15, s13, $0xb8;
	[tilespmem:$0x1D700] =	vst v63  }
0x1ce: {  	_ =	swait.ge [sflag:s5], $0x800  }
0x1cf: {  	s16 =	sld [smem:$0x7FB]  }
0x1d0: {  	[sflag:s5] =	ssyncset.done $0x0  }
0x1d1: {  	[sflag:s5] =	ssyncadd.s32 $0xFFFFF800  }
0x1d2: {  	[spmem:s2] =	stream.indirect.scatter.add.f32 [tilespmem:s12], [sflag:$0x11], $0x10, s16, s13, $0xb8;
	[tilespmem:$0x1D700] =	vst v63  }
0x1d3: {  	_ =	swait.ge [sflag:s26], $0x800  }
0x1d4: {  	[sflag:s26] =	ssyncset.done $0x0  }
0x1d5: {  	[sflag:s26] =	ssyncadd.s32 $0xFFFFF800  }
0x1d6: {  	_ =	swait.ge [sflag:s29], $0x800  }
0x1d7: {  	[sflag:s29] =	ssyncset.done $0x0  }
0x1d8: {  	[sflag:s29] =	ssyncadd.s32 $0xFFFFF800  }
0x1d9: {  	_ =	swait.ge [sflag:s31], $0x800  }
0x1da: {  	[sflag:s31] =	ssyncset.done $0x0  }
0x1db: {  	[sflag:s31] =	ssyncadd.s32 $0xFFFFF800  }
0x1dc: {  	_ =	swait.ge [sflag:s0], $0x800  }
0x1dd: {  	[sflag:s0] =	ssyncset.done $0x0  }
0x1de: {  	[sflag:s0] =	ssyncadd.s32 $0xFFFFF800  }
0x1df: {  	_ =	swait.ge [sflag:s7], $0x800  }
0x1e0: {  	[sflag:s7] =	ssyncset.done $0x0  }
0x1e1: {  	[sflag:s7] =	ssyncadd.s32 $0xFFFFF800  }
0x1e2: {  	_ =	swait.ge [sflag:s8], $0x800  }
0x1e3: {  	[sflag:s8] =	ssyncset.done $0x0  }
0x1e4: {  	[sflag:s8] =	ssyncadd.s32 $0xFFFFF800  }
0x1e5: {  	_ =	swait.ge [sflag:s6], $0x800  }
0x1e6: {  	[sflag:s6] =	ssyncset.done $0x0  }
0x1e7: {  	[sflag:s6] =	ssyncadd.s32 $0xFFFFF800  }
0x1e8: {  	_ =	swait.ge [sflag:s9], $0x800  }
0x1e9: {  	[sflag:s9] =	ssyncset.done $0x0  }
0x1ea: {  	[sflag:s9] =	ssyncadd.s32 $0xFFFFF800  }
0x1eb: {  	[bflag:$0x0] =	sbarrier.arrive $0xFFFF  }
0x1ec: {  	s10 =	sld [smem:$0x7FC]  }
0x1ed: {  	s17 =	sld [smem:$0x7F8]  }
0x1ee: {  	s11 =	sld [smem:$0x7FD];
	_ =	sdelay $0x1  }
0x1ef: {  	s14 =	simm.s32 $0x12  }
0x1f0: {  	[hbm:s17], [sflag:s10] =	dma.local [spmem:s11], $0x30E0  }
0x1f1: {  	_ =	swait.ge [sflag:s14], $0x30E0  }
0x1f2: {  	s18 =	sld [smem:$0x7F6]  }
0x1f3: {  	s20 =	sld [smem:$0x7F9];
	_ =	sdelay $0x1  }
0x1f4: {  	s12 =	sadd.s32 $0x1, s18  }
0x1f5: {  	p0 =	sne.s32 s12, s20  }
.Ltmp1:
0x1f6: {  	_ = 	snop;
	(pc) =	sbr.rel @p0 .LBB2_1-.Ltmp1, $3  }
0x1f7: {  	_ =	sdelay $0x1  }
0x1f8: {  	[sflag:s14] =	ssyncset.done $0x0  }
0x1f9: {  	[sflag:s14] =	ssyncadd.s32 $0xFFFFCF20  }
0x1fa: {  	_ =	sfence.sel $0x180000  }
0x1fb: {  	[bflag:$0x0] =	sbarrier.arrive $0xFFFF  }
0x1fc: {  	_ =	strace $0x90000047  }
0x1fd: {  	s0 =	stileid.u32;
	[bflag:$0x2] =	sbarrier.arrive $0xFFFF  }
0x1fe: {  	p0 =	sne.s32 s0, $0x0;
	s0 =	rddreg [dreg:$0x2]  }
0x1ff: {  	s0 =	sadd.s32 @!p0 $0x100000, s0  }
0x200: {  	[sflag:s0] =	ssyncadd.tile.s32 @!p0 $0x1;
	_ =	shalt  }
.Lfunc_end2:
_tile_overlayer_lowered:
.L_overlay_start_2:
0x201: {  	(tag) =	ssettag $0x2  }
0x202: {  	s0 =	rddreg [dreg:$0x0];
	s2 =	stileid.u32  }
0x203: {  	s1 =	rddreg [dreg:$0x1];
	p0 =	sne.s32 s2, $0x0  }
0x204: {  	s3 =	rddreg [dreg:$0x2];
	[bflag:$0x3] =	sbarrier.arrive $0xFFFF;
	s2 =	simm.s32 @!p0 $0x1C12  }
0x205: {  	[timem:s3], [sflag:s2] =	dma.local @!p0 [hbm:s0], s1  }
0x206: {  	s0 =	simm.s32 @!p0 $0x12  }
0x207: {  	_ =	swait.ge @!p0 [sflag:s0], s1  }
0x208: {  	s1 =	ssub.s32 @!p0 $0x0, s1;
	[sflag:s0] =	ssyncset.done @!p0 $0x0  }
0x209: {  	[sflag:s0] =	ssyncadd.s32 @!p0 s1  }
0x20a: {  	[bflag:$0x3] =	sbarrier.arrive $0xFFFF  }
0x20b: {  	_ =	shalt  }

</sc_bundles>
